<compile_context>
chip_gen: v7x
topology: tpu7x:2x2x1
jax: 0.10.2.dev20260603
libtpu: 0.0.44.dev20260713+nightly
codegen_flags: <defaults>
</compile_context>

<pallas_src>
import functools

import jax
import jax.numpy as jnp
from jax.experimental import pallas as pl
from jax.experimental.pallas import tpu as pltpu

_V = 32000
_L = 2
_H = 16
_KVH = 4
_C = 1024
_T = 2048
_A = 8
_K = 2
_F = 2048
_THETA = 10000.0
_DH = _C // _H
_REP = _H // _KVH

_FFN_BT = 128
_FFN_P = _T * _K + _A * _FFN_BT


def _mm_kernel(a_ref, b_ref, o_ref, *, act):
    r = jnp.dot(a_ref[...], b_ref[...], preferred_element_type=jnp.float32)
    if act == "tanh":
        r = jnp.tanh(r)
    elif act == "sigmoid":
        r = jax.nn.sigmoid(r)
    o_ref[...] = r


def _mm(a, b, bm=256, bn=512, act=None):
    m, k = a.shape
    _, n = b.shape
    return pl.pallas_call(
        functools.partial(_mm_kernel, act=act),
        grid=(n // bn, m // bm),
        in_specs=[
            pl.BlockSpec((bm, k), lambda j, i: (i, 0)),
            pl.BlockSpec((k, bn), lambda j, i: (0, j)),
        ],
        out_specs=pl.BlockSpec((bm, bn), lambda j, i: (i, j)),
        out_shape=jax.ShapeDtypeStruct((m, n), jnp.float32),
    )(a, b)


_BQ = 1024


def _attn_kernel(q_ref, k_ref, v_ref, o_ref):
    i = pl.program_id(1)
    neg = jnp.finfo(jnp.float32).min
    q = q_ref[0]
    k0 = k_ref[0, :_BQ]
    v0 = v_ref[0, :_BQ]
    s0 = jax.lax.dot_general(q, k0, (((1,), (1,)), ((), ())),
                             preferred_element_type=jnp.float32) * 0.125
    row = i * _BQ + jax.lax.broadcasted_iota(jnp.int32, s0.shape, 0)
    col = jax.lax.broadcasted_iota(jnp.int32, s0.shape, 1)
    s0 = jnp.where(col <= row, s0, neg)
    m1 = jnp.max(s0, axis=-1, keepdims=True)
    e0 = jnp.exp(s0 - m1)
    rs0 = jnp.sum(e0, axis=-1, keepdims=True)
    o1 = jax.lax.dot_general(e0, v0, (((1,), (0,)), ((), ())),
                             preferred_element_type=jnp.float32) * (1.0 / rs0)

    @pl.when(i == 0)
    def _():
        o_ref[0] = (rs0 * o1) * (1.0 / rs0)

    @pl.when(i == 1)
    def _():
        k1 = k_ref[0, _BQ:]
        v1 = v_ref[0, _BQ:]
        s1 = jax.lax.dot_general(q, k1, (((1,), (1,)), ((), ())),
                                 preferred_element_type=jnp.float32) * 0.125
        col1 = _BQ + jax.lax.broadcasted_iota(jnp.int32, s1.shape, 1)
        s1 = jnp.where(col1 <= row, s1, neg)
        m2 = jnp.maximum(m1, jnp.max(s1, axis=-1, keepdims=True))
        d = jnp.where(m1 == m2, 0.0, m1 - m2)
        cd = jnp.exp(d)
        e1 = jnp.exp(s1 - m2)
        rs1 = jnp.sum(e1, axis=-1, keepdims=True)
        sum2 = cd * rs0 + rs1
        acc = (cd * rs0) * o1
        num = jax.lax.dot_general(e1, v1, (((1,), (0,)), ((), ())),
                                  preferred_element_type=jnp.float32) + acc
        o_ref[0] = num * (1.0 / sum2)


def _attention(q, k, v):
    return pl.pallas_call(
        _attn_kernel,
        grid=(_H, _T // _BQ),
        in_specs=[
            pl.BlockSpec((1, _BQ, _DH), lambda h, i: (h, i, 0)),
            pl.BlockSpec((1, _T, _DH), lambda h, i: (h // _REP, 0, 0)),
            pl.BlockSpec((1, _T, _DH), lambda h, i: (h // _REP, 0, 0)),
        ],
        out_specs=pl.BlockSpec((1, _BQ, _DH), lambda h, i: (h, i, 0)),
        out_shape=jax.ShapeDtypeStruct((_H, _T, _DH), jnp.float32),
    )(q, k, v)


def _ffn_kernel(be_ref, x_ref, w13_ref, w2_ref, o_ref):
    h = jnp.dot(x_ref[...], w13_ref[0], preferred_element_type=jnp.float32)
    h1 = h[:, :_F]
    h3 = h[:, _F:]
    hid = (h1 * jax.nn.sigmoid(h1)) * h3
    o_ref[...] = jnp.dot(hid, w2_ref[0], preferred_element_type=jnp.float32)


def _ragged_ffn(x_pad, block_e, w13, w2):
    nb = _FFN_P // _FFN_BT
    return pl.pallas_call(
        _ffn_kernel,
        grid_spec=pltpu.PrefetchScalarGridSpec(
            num_scalar_prefetch=1,
            grid=(nb,),
            in_specs=[
                pl.BlockSpec((_FFN_BT, _C), lambda i, be: (i, 0)),
                pl.BlockSpec((1, _C, 2 * _F), lambda i, be: (be[i], 0, 0)),
                pl.BlockSpec((1, _F, _C), lambda i, be: (be[i], 0, 0)),
            ],
            out_specs=pl.BlockSpec((_FFN_BT, _C), lambda i, be: (i, 0)),
        ),
        out_shape=jax.ShapeDtypeStruct((_FFN_P, _C), jnp.float32),
    )(block_e, x_pad, w13, w2)


def _rmsnorm(x, w):
    return x * jax.lax.rsqrt(jnp.mean(x * x, axis=-1, keepdims=True) + 1e-5) * w


def _rope_tables():
    inv = 1.0 / (_THETA ** (jnp.arange(0, _DH, 2, dtype=jnp.float32) / _DH))
    t = jnp.arange(_T, dtype=jnp.float32)
    freqs = jnp.outer(t, inv)
    emb = jnp.concatenate([freqs, freqs], axis=-1)
    return jnp.cos(emb), jnp.sin(emb)


def _apply_rope(x, cos, sin):
    h = _DH // 2
    x1 = x[..., :h]
    x2 = x[..., h:]
    rot = jnp.concatenate([-x2, x1], axis=-1)
    return x * cos[None] + rot * sin[None]


def _moa(xn3, lp):
    logits = xn3 @ lp["router"]
    w = jax.nn.softmax(logits, axis=-1)
    topw3, topi3 = jax.lax.top_k(w, _K)
    topw3 = topw3 / jnp.sum(topw3, axis=-1, keepdims=True)
    xn = xn3[0]
    topw = topw3[0]
    topi = topi3[0]

    e_flat = topi.reshape(-1)
    perm = jnp.argsort(e_flat)
    g = jnp.bincount(e_flat, length=_A)
    gp = ((g + _FFN_BT - 1) // _FFN_BT) * _FFN_BT
    pstart = jnp.concatenate([jnp.zeros((1,), jnp.int32),
                              jnp.cumsum(gp).astype(jnp.int32)])
    soff = jnp.concatenate([jnp.zeros((1,), jnp.int32),
                            jnp.cumsum(g).astype(jnp.int32)])
    r = jnp.arange(_FFN_P, dtype=jnp.int32)
    e_of_r = jnp.minimum(
        jnp.searchsorted(pstart[1:], r, side="right").astype(jnp.int32), _A - 1)
    within = r - pstart[e_of_r]
    valid = within < g[e_of_r]
    sidx = jnp.where(valid, soff[e_of_r] + within, 0)
    flat = perm[sidx]
    tok = flat // _K
    x_pad = xn[tok] * valid[:, None]
    block_e = e_of_r[:: _FFN_BT]

    w13 = jnp.concatenate([lp["w1"], lp["w3"]], axis=-1)
    out_pad = _ragged_ffn(x_pad, block_e, w13, lp["w2"])

    agent_flat = jnp.zeros((_T * _K, _C), jnp.float32).at[flat].add(
        out_pad * valid[:, None])
    agent = agent_flat.reshape(_T, _K, _C) * topw[..., None]
    ao0 = agent[:, 0]
    ao1 = agent[:, 1]

    aos = jnp.concatenate([ao0, ao1], axis=0)
    msgs = _mm(aos, lp["msg"], act="tanh")
    other = jnp.concatenate([msgs[_T:], msgs[:_T]], axis=0)
    listened = _mm(other, lp["listen"])
    gates = _mm(jnp.concatenate([aos, listened], axis=1), lp["gate"],
                act="sigmoid")
    s0 = jax.nn.sigmoid(lp["strength"][topi[_T - 1, 0], 0])
    s1 = jax.nn.sigmoid(lp["strength"][topi[_T - 1, 1], 0])
    return (ao0 + ao1
            + s0 * gates[:_T] * listened[:_T]
            + s1 * gates[_T:] * listened[_T:])


def _rotate_half(x):
    h = x.shape[-1] // 2
    x1, x2 = x[..., :h], x[..., h:]
    return jnp.concatenate([-x2, x1], axis=-1)


def _jax_attn(x, lp):
    B, T, C = x.shape
    dh = _DH
    q = (x @ lp["wq"]).reshape(B, T, _H, dh).transpose(0, 2, 1, 3)
    k = (x @ lp["wk"]).reshape(B, T, _KVH, dh).transpose(0, 2, 1, 3)
    v = (x @ lp["wv"]).reshape(B, T, _KVH, dh).transpose(0, 2, 1, 3)
    k = jnp.repeat(k, _REP, axis=1)
    v = jnp.repeat(v, _REP, axis=1)
    cos, sin = _rope_tables()
    cos, sin = cos[None, None], sin[None, None]
    q = q * cos + _rotate_half(q) * sin
    k = k * cos + _rotate_half(k) * sin
    att = (q @ k.transpose(0, 1, 3, 2)) / (dh ** 0.5)
    mask = jnp.tril(jnp.ones((T, T), dtype=bool))
    att = jnp.where(mask[None, None], att, jnp.finfo(att.dtype).min)
    att = jax.nn.softmax(att, axis=-1)
    y = (att @ v).transpose(0, 2, 1, 3).reshape(B, T, C)
    return y @ lp["wo"]


def _jax_moa(x, lp):
    B, T, C = x.shape
    A, K = _A, _K
    logits = x @ lp["router"]
    w = jax.nn.softmax(logits, axis=-1)
    topw, topi = jax.lax.top_k(w, K)
    topw = topw / jnp.sum(topw, axis=-1, keepdims=True)
    h1 = jnp.einsum("btc,acf->btaf", x, lp["w1"])
    h3 = jnp.einsum("btc,acf->btaf", x, lp["w3"])
    hid = jax.nn.silu(h1) * h3
    allout = jnp.einsum("btaf,afc->btac", hid, lp["w2"])
    agent_outs = []
    for kk in range(K):
        sel = jnp.take_along_axis(allout, topi[..., kk][..., None, None],
                                  axis=2)[:, :, 0, :]
        agent_outs.append(topw[..., kk:kk + 1] * sel)
    msgs = [jnp.tanh(ao @ lp["msg"]) for ao in agent_outs]
    refined = jnp.zeros_like(x)
    for kk in range(K):
        other = jnp.zeros_like(x)
        for j in range(K):
            if j != kk:
                other = other + msgs[j]
        listened = other @ lp["listen"]
        gate = jax.nn.sigmoid(
            jnp.concatenate([agent_outs[kk], listened], axis=-1) @ lp["gate"])
        strength = jax.nn.sigmoid(lp["strength"][topi[0, -1, kk], 0])
        refined = refined + agent_outs[kk] + strength * gate * listened
    return refined


def kernel(idx, params):
    xb = params["tok_emb"][idx]
    lp0, lp1 = params["layers"]
    xb = xb + _jax_attn(_rmsnorm(xb, lp0["ln1"]), lp0)
    xb = xb + _jax_moa(_rmsnorm(xb, lp0["ln2"]), lp0)
    xb = xb + _jax_attn(_rmsnorm(xb, lp1["ln1"]), lp1)
    xb = xb + _moa(_rmsnorm(xb, lp1["ln2"]), lp1)[None]
    x = _rmsnorm(xb, params["lnf"])
    return x @ params["lm_head"]

# --- scband reference (transcript-rebuilt; emitter-appended) ---
"""Pipeline reference for scband-almcoder-23270132810292 (READ-ONLY COPY).

The authoritative reference and input builder live on the scoring server;
editing this copy changes nothing except your own understanding.
"""

import jax, jax.numpy as jnp
import numpy as np

CFG = dict(vocab=32000, L=2, H=16, KVH=4, C=1024, T=2048, A=8, TOPK=2, FFN=2048, THETA=10000.0)


def rotate_half(x):
    h = x.shape[-1] // 2
    x1, x2 = x[..., :h], x[..., h:]
    return jnp.concatenate([-x2, x1], axis=-1)


def _rope(T, dh):
    inv = 1.0 / (CFG['THETA'] ** (jnp.arange(0, dh, 2, dtype=jnp.float32) / dh))
    t = jnp.arange(T, dtype=jnp.float32)
    freqs = jnp.outer(t, inv)
    emb = jnp.concatenate([freqs, freqs], axis=-1)
    return jnp.cos(emb)[None, None], jnp.sin(emb)[None, None]


def _rmsnorm(x, w):
    return x * jax.lax.rsqrt(jnp.mean(x * x, axis=-1, keepdims=True) + 1e-5) * w


def _attn(x, lp):
    B, T, C = x.shape
    H, KVH = CFG['H'], CFG['KVH']
    dh = C // H
    rep = H // KVH
    q = (x @ lp['wq']).reshape(B, T, H, dh).transpose(0, 2, 1, 3)
    k = (x @ lp['wk']).reshape(B, T, KVH, dh).transpose(0, 2, 1, 3)
    v = (x @ lp['wv']).reshape(B, T, KVH, dh).transpose(0, 2, 1, 3)
    k = jnp.repeat(k, rep, axis=1)
    v = jnp.repeat(v, rep, axis=1)
    cos, sin = _rope(T, dh)
    q = q * cos + rotate_half(q) * sin
    k = k * cos + rotate_half(k) * sin
    att = (q @ k.transpose(0, 1, 3, 2)) / np.sqrt(dh)
    mask = jnp.tril(jnp.ones((T, T), dtype=bool))
    att = jnp.where(mask[None, None], att, jnp.finfo(att.dtype).min)
    att = jax.nn.softmax(att, axis=-1)
    y = (att @ v).transpose(0, 2, 1, 3).reshape(B, T, C)
    return y @ lp['wo']


def _moa(x, lp):
    # Mixture-of-Agents routing: softmax router -> top-k agents -> SwiGLU agent FFNs
    B, T, C = x.shape
    A, K = CFG['A'], CFG['TOPK']
    logits = x @ lp['router']
    w = jax.nn.softmax(logits, axis=-1)
    topw, topi = jax.lax.top_k(w, K)
    topw = topw / jnp.sum(topw, axis=-1, keepdims=True)
    h1 = jnp.einsum('btc,acf->btaf', x, lp['w1'])
    h3 = jnp.einsum('btc,acf->btaf', x, lp['w3'])
    hid = jax.nn.silu(h1) * h3
    allout = jnp.einsum('btaf,afc->btac', hid, lp['w2'])
    agent_outs = []
    for kk in range(K):
        idx = topi[..., kk][..., None, None]
        sel = jnp.take_along_axis(allout, idx, axis=2)[:, :, 0, :]
        agent_outs.append(topw[..., kk:kk + 1] * sel)
    # AgentTalk layer: active agents exchange gated messages
    msgs = [jnp.tanh(ao @ lp['msg']) for ao in agent_outs]
    refined = jnp.zeros_like(x)
    for kk in range(K):
        other = jnp.zeros_like(x)
        for j in range(K):
            if j != kk:
                other = other + msgs[j]
        listened = other @ lp['listen']
        gate = jax.nn.sigmoid(jnp.concatenate([agent_outs[kk], listened], axis=-1) @ lp['gate'])
        aid = topi[0, -1, kk]
        strength = jax.nn.sigmoid(lp['strength'][aid, 0])
        refined = refined + agent_outs[kk] + strength * gate * listened
    return refined


def _forward(idx, params):
    x = params['tok_emb'][idx]
    for lp in params['layers']:
        x = x + _attn(_rmsnorm(x, lp['ln1']), lp)
        x = x + _moa(_rmsnorm(x, lp['ln2']), lp)
    x = _rmsnorm(x, params['lnf'])
    return x @ params['lm_head']


def _init_params(key):
    C, A, F, V = CFG['C'], CFG['A'], CFG['FFN'], CFG['vocab']
    KVH, H = CFG['KVH'], CFG['H']
    kvdim = (C // H) * KVH
    def nrm(k, shape):
        return jax.random.normal(k, shape, dtype=jnp.float32) * 0.02
    keys = jax.random.split(key, 2 + CFG['L'])
    params = {'tok_emb': nrm(keys[0], (V, C)), 'lnf': jnp.ones((C,), jnp.float32), 'lm_head': nrm(keys[1], (C, V)), 'layers': []}
    for i in range(CFG['L']):
        lk = jax.random.split(keys[2 + i], 12)
        layer = {
            'ln1': jnp.ones((C,), jnp.float32),
            'ln2': jnp.ones((C,), jnp.float32),
            'wq': nrm(lk[0], (C, C)),
            'wk': nrm(lk[1], (C, kvdim)),
            'wv': nrm(lk[2], (C, kvdim)),
            'wo': nrm(lk[3], (C, C)),
            'router': nrm(lk[4], (C, A)),
            'w1': nrm(lk[5], (A, C, F)),
            'w3': nrm(lk[6], (A, C, F)),
            'w2': nrm(lk[7], (A, F, C)),
            'msg': nrm(lk[8], (C, C)),
            'listen': nrm(lk[9], (C, C)),
            'gate': nrm(lk[10], (2 * C, C)),
            'strength': nrm(lk[11], (A, 1)),
        }
        params['layers'].append(layer)
    return params


def setup_inputs(seed: int = 0) -> dict:
    key = jax.random.key(seed)
    k1, k2 = jax.random.split(key)
    idx = jax.random.randint(k1, (1, CFG['T']), 0, CFG['vocab'], dtype=jnp.int32)
    params = _init_params(k2)
    return {'idx': idx, 'params': params}


def reference(idx, params):
    return _forward(idx, params)

if __name__ == "__main__":
    import jax
    _d = setup_inputs()
    print(jax.jit(kernel)(*tuple(_d.values())))

</pallas_src>

<mosaic_0001>
module {
  func.func @main(%arg0: i32, %arg1: i32, %arg2: i32, %arg3: memref<1x1024x1024xf32, #tpu.memory_space<vmem>>, %arg4: memref<1x1024x64xf32, #tpu.memory_space<vmem>>, %arg5: memref<1x1024x64xf32, #tpu.memory_space<vmem>>, %arg6: memref<1x1024x1xf32, #tpu.memory_space<vmem>>, %arg7: memref<1x1024x1xf32, #tpu.memory_space<vmem>>) attributes {dimension_semantics = [#tpu.dimension_semantics<parallel>, #tpu.dimension_semantics<parallel>, #tpu.dimension_semantics<arbitrary>], iteration_bounds = array<i64: 16, 2, 2>, scratch_operands = 2 : i64, window_params = [{transform_indices = @qk_fn, window_bounds = array<i64: 1, 1024, 1024>}, {transform_indices = @v_fn, window_bounds = array<i64: 1, 1024, 64>}, {transform_indices = @oi_fn, window_bounds = array<i64: 1, 1024, 64>}]} {
    %c0 = arith.constant 0 : index
    %c0_i32 = arith.constant 0 : i32
    %0 = arith.cmpi eq, %c0_i32, %arg2 : i32
    scf.if %0 {
      %cst_3 = arith.constant dense<0.000000e+00> : vector<1x1024x64xf32>
      vector.store %cst_3, %arg5[%c0, %c0, %c0] : memref<1x1024x64xf32, #tpu.memory_space<vmem>>, vector<1x1024x64xf32>
      %cst_4 = arith.constant dense<0xFF800000> : vector<1x1024x1xf32>
      vector.store %cst_4, %arg6[%c0, %c0, %c0] : memref<1x1024x1xf32, #tpu.memory_space<vmem>>, vector<1x1024x1xf32>
      %cst_5 = arith.constant dense<0.000000e+00> : vector<1x1024x1xf32>
      vector.store %cst_5, %arg7[%c0, %c0, %c0] : memref<1x1024x1xf32, #tpu.memory_space<vmem>>, vector<1x1024x1xf32>
    }
    %1 = vector.load %arg3[%c0, %c0, %c0] : memref<1x1024x1024xf32, #tpu.memory_space<vmem>>, vector<1x1024x1024xf32>
    %cst = arith.constant dense<0xFF800000> : vector<1x1024xf32>
    %2 = vector.multi_reduction <maximumf>, %1, %cst [2] : vector<1x1024x1024xf32> to vector<1x1024xf32>
    %3 = vector.shape_cast %2 : vector<1x1024xf32> to vector<1x1024x1xf32>
    %4 = vector.load %arg6[%c0, %c0, %c0] : memref<1x1024x1xf32, #tpu.memory_space<vmem>>, vector<1x1024x1xf32>
    %5 = arith.maximumf %4, %3 : vector<1x1024x1xf32>
    %cst_0 = arith.constant dense<0.000000e+00> : vector<1x1024x1xf32>
    %6 = arith.cmpf oeq, %4, %5 : vector<1x1024x1xf32>
    %7 = arith.subf %4, %5 : vector<1x1024x1xf32>
    %8 = arith.select %6, %cst_0, %7 : vector<1x1024x1xi1>, vector<1x1024x1xf32>
    %9 = vector.broadcast %5 : vector<1x1024x1xf32> to vector<1x1024x1024xf32>
    %10 = arith.subf %1, %9 : vector<1x1024x1024xf32>
    %11 = math.exp %10 : vector<1x1024x1024xf32>
    %cst_1 = arith.constant dense<0.000000e+00> : vector<1x1024xf32>
    %12 = vector.multi_reduction <add>, %11, %cst_1 [2] : vector<1x1024x1024xf32> to vector<1x1024xf32>
    %13 = vector.shape_cast %12 : vector<1x1024xf32> to vector<1x1024x1xf32>
    %14 = vector.load %arg7[%c0, %c0, %c0] : memref<1x1024x1xf32, #tpu.memory_space<vmem>>, vector<1x1024x1xf32>
    %15 = math.exp %8 : vector<1x1024x1xf32>
    %16 = arith.mulf %15, %14 : vector<1x1024x1xf32>
    %17 = arith.addf %16, %13 : vector<1x1024x1xf32>
    %18 = vector.load %arg5[%c0, %c0, %c0] : memref<1x1024x64xf32, #tpu.memory_space<vmem>>, vector<1x1024x64xf32>
    %19 = math.exp %8 : vector<1x1024x1xf32>
    %20 = arith.mulf %19, %14 : vector<1x1024x1xf32>
    %21 = vector.broadcast %20 : vector<1x1024x1xf32> to vector<1x1024x64xf32>
    %22 = arith.mulf %21, %18 : vector<1x1024x64xf32>
    %23 = vector.load %arg4[%c0, %c0, %c0] : memref<1x1024x64xf32, #tpu.memory_space<vmem>>, vector<1x1024x64xf32>
    %24 = vector.shape_cast %23 : vector<1x1024x64xf32> to vector<1024x64xf32>
    %25 = vector.shape_cast %11 : vector<1x1024x1024xf32> to vector<1024x1024xf32>
    %26 = vector.shape_cast %22 : vector<1x1024x64xf32> to vector<1024x64xf32>
    %27 = tpu.matmul %25, %24, %26 {dimension_numbers = #tpu.dot_dimension_numbers<[1], [0], [0], [1], [0, 0, 1, 1], [], []>, precision = #tpu.contract_precision<bf16>, transpose_lhs_hint = false} : vector<1024x1024xf32>, vector<1024x64xf32>, vector<1024x64xf32> -> vector<1024x64xf32>
    %28 = vector.shape_cast %27 : vector<1024x64xf32> to vector<1x1024x64xf32>
    %cst_2 = arith.constant dense<1.000000e+00> : vector<1x1024x1xf32>
    %29 = arith.divf %cst_2, %17 : vector<1x1024x1xf32>
    %30 = vector.broadcast %29 : vector<1x1024x1xf32> to vector<1x1024x64xf32>
    %31 = arith.mulf %28, %30 : vector<1x1024x64xf32>
    %32 = vector.shape_cast %31 : vector<1x1024x64xf32> to vector<1x1024x64xf32>
    vector.store %32, %arg5[%c0, %c0, %c0] : memref<1x1024x64xf32, #tpu.memory_space<vmem>>, vector<1x1024x64xf32>
    vector.store %5, %arg6[%c0, %c0, %c0] : memref<1x1024x1xf32, #tpu.memory_space<vmem>>, vector<1x1024x1xf32>
    vector.store %17, %arg7[%c0, %c0, %c0] : memref<1x1024x1xf32, #tpu.memory_space<vmem>>, vector<1x1024x1xf32>
    return
  }
  func.func @qk_fn(%arg0: i32, %arg1: i32, %arg2: i32) -> (i32, i32, i32) {
    return %arg0, %arg1, %arg2 : i32, i32, i32
  }
  func.func @v_fn(%arg0: i32, %arg1: i32, %arg2: i32) -> (i32, i32, i32) {
    %c0_i32 = arith.constant 0 : i32
    return %arg0, %arg2, %c0_i32 : i32, i32, i32
  }
  func.func @oi_fn(%arg0: i32, %arg1: i32, %arg2: i32) -> (i32, i32, i32) {
    %c0_i32 = arith.constant 0 : i32
    return %arg0, %arg1, %c0_i32 : i32, i32, i32
  }
}

</mosaic_0001>

<sc_bundles>
// kernel: gather_offload_async_start.1
scs
__scs_entry_jumppad:
0x0: {  	(pc) =	sbr.rel $0x88, $3  }
0x1: {  	(tag) =	ssettag $0x0;
	lr =	simm.s32 $0x1  }
0x2: {  	[smem:$0x3F81] =	sst lr;
	_ =	strace $0xD0000000  }
0x3: {  	_ = 	snop  }
0x4: {  	_ = 	snop  }
0x5: {  	_ = 	snop  }
0x6: {  	_ = 	snop  }
0x7: {  	_ = 	snop  }
__scs_overlays_trampoline_lowered:
0x8: {  	[smem:$0x3F90] =	sst s0  }
0x9: {  	[smem:$0x3F91] =	sst s1  }
0xa: {  	[smem:$0x3F92] =	sst s2  }
0xb: {  	[smem:$0x3F93] =	sst s3  }
0xc: {  	[smem:$0x3F94] =	sst s4  }
0xd: {  	[smem:$0x3F95] =	sst s5  }
0xe: {  	[smem:$0x3F96] =	sst s6  }
0xf: {  	[smem:$0x3F97] =	sst s7  }
0x10: {  	[smem:$0x3F98] =	sst s8  }
0x11: {  	[smem:$0x3F99] =	sst s9;
	s0 =	simm.s32 @!p0 $0x0  }
0x12: {  	s1 =	sld [smem:$0x3F7F];
	s0 =	simm.s32 @p0 $0x1  }
0x13: {  	[smem:$0x3F9A] =	sst s0;
	s0 =	simm.s32 @!p1 $0x0  }
0x14: {  	s2 =	sld [smem:$0x3F7E];
	s0 =	simm.s32 @p1 $0x1  }
0x15: {  	[smem:$0x3F9B] =	sst s0;
	s0 =	simm.s32 @!p2 $0x0  }
0x16: {  	s3 =	sld [smem:$0x3FDB];
	s0 =	simm.s32 @p2 $0x1  }
0x17: {  	s4 =	simm.s32 $0x1BF5;
	[smem:$0x3F9D] =	sst s0  }
0x18: {  	s0 =	sld [smem:$0x3F80];
	_ =	swait.ge [sflag:s4], $0x0  }
0x19: {  	s7 =	sld [smem:$0x3F81]  }
0x1a: {  	s8 =	sadd.s32 $0xFFFFE003, lr  }
0x1b: {  	s9 =	sadd.s32 $0xFFFFFEF7, lr;
	s5 =	simm.s32 $0xFFFFFFFF;
	p2 =	slt.u32 s8, $0xFFFFF086  }
0x1c: {  	p1 =	slt.u32 s9, $0xF7A;
	s5 =	simm.s32 @!p2 $0x0  }
0x1d: {  	s5 =	simm.s32 @p1 $0x1;
	p0 =	seq.s32 s7, s2  }
0x1e: {  	s7 =	smul.u32 @!p0 $0xF7A, s2;
	p2 =	seq.s32 @!p0 s5, $0x0  }
0x1f: {  	s9 =	smul.u32 $0xF7A, s1;
	s8 =	simm.s32 @!p0 $0x1BF5;
	p2 =	por !p2, p0  }
0x20: {  	[sflag:s8] =	ssyncset.s32 @!p0 $0xFFFFF086;
	s6 =	sadd.s32 @!p0 s3, s7;
	s7 =	simm.s32 @!p0 $0x108  }
0x21: {  	s3 =	sadd.s32 s3, s9;
	s6 =	sadd.s32 @!p0 $0x88, s6;
	s7 =	simm.s32 @p2 $0x1082  }
0x22: {  	[simem:s7], [sflag:s8] =	dma.local @!p0 [hbm:s6], $0xF7A  }
0x23: {  	s9 =	sor.u32 $0xD0000000, s2;
	s6 =	simm.s32 $0x108;
	_ =	swait.ge @!p0 [sflag:s8], $0x0  }
0x24: {  	s3 =	sadd.s32 $0x88, s3;
	s6 =	simm.s32 @!p1 $0x1082;
	[sflag:s4] =	ssyncset.s32 $0xFFFFF086  }
0x25: {  	[simem:s6], [sflag:s4] =	dma.local [hbm:s3], $0xF7A  }
0x26: {  	[smem:$0x3F81] =	sst s1;
	(tag) =	ssettag s2;
	_ =	strace s9  }
0x27: {  	s1 =	sld [smem:$0x3F91]  }
0x28: {  	s2 =	sld [smem:$0x3F92]  }
0x29: {  	s4 =	sld [smem:$0x3F94]  }
0x2a: {  	p0 =	seq.s32 s5, $0x0;
	s5 =	sld [smem:$0x3F95]  }
0x2b: {  	s6 =	sld [smem:$0x3F96]  }
0x2c: {  	s7 =	sld [smem:$0x3F97]  }
0x2d: {  	s3 =	simm.s32 $0x108;
	s8 =	sld [smem:$0x3F98]  }
0x2e: {  	s3 =	simm.s32 @!p0 $0x1082;
	s9 =	sld [smem:$0x3F99]  }
0x2f: {  	lr =	sadd.s32 s0, s3;
	s0 =	sld [smem:$0x3F90]  }
0x30: {  	s3 =	sld [smem:$0x3F93]  }
0x31: {  	[smem:$0x3F9C] =	sst s10  }
0x32: {  	s10 =	sld [smem:$0x3F9A];
	_ =	sdelay $0x3  }
0x33: {  	p0 =	seq.s32 s10, $0x1;
	s10 =	sld [smem:$0x3F9C];
	_ =	sdelay $0x3  }
0x34: {  	[smem:$0x3F9C] =	sst s10  }
0x35: {  	s10 =	sld [smem:$0x3F9B];
	_ =	sdelay $0x3  }
0x36: {  	p1 =	seq.s32 s10, $0x1;
	s10 =	sld [smem:$0x3F9C];
	_ =	sdelay $0x3  }
0x37: {  	[smem:$0x3F9C] =	sst s10  }
0x38: {  	s10 =	sld [smem:$0x3F9D]  }
0x39: {  	_ = 	snop;
	(pc) =	sbr.ind lr, $3  }
0x3a: {  	_ = 	snop  }
0x3b: {  	_ = 	snop  }
0x3c: {  	p2 =	seq.s32 s10, $0x1;
	s10 =	sld [smem:$0x3F9C]  }
0x3d: {  	_ =	shalt  }
0x3e: {  	_ =	shalt  }
0x3f: {  	_ =	shalt  }
0x40: {  	_ =	shalt  }
0x41: {  	_ =	shalt  }
0x42: {  	_ =	shalt  }
0x43: {  	_ =	shalt  }
0x44: {  	_ =	shalt  }
0x45: {  	_ =	shalt  }
0x46: {  	_ =	shalt  }
0x47: {  	_ =	shalt  }
0x48: {  	_ =	shalt  }
0x49: {  	_ =	shalt  }
0x4a: {  	_ =	shalt  }
0x4b: {  	_ =	shalt  }
0x4c: {  	_ =	shalt  }
0x4d: {  	_ =	shalt  }
0x4e: {  	_ =	shalt  }
0x4f: {  	_ =	shalt  }
0x50: {  	_ =	shalt  }
0x51: {  	_ =	shalt  }
0x52: {  	_ =	shalt  }
0x53: {  	_ =	shalt  }
0x54: {  	_ =	shalt  }
0x55: {  	_ =	shalt  }
0x56: {  	_ =	shalt  }
0x57: {  	_ =	shalt  }
0x58: {  	_ =	shalt  }
0x59: {  	_ =	shalt  }
0x5a: {  	_ =	shalt  }
0x5b: {  	_ =	shalt  }
0x5c: {  	_ =	shalt  }
0x5d: {  	_ =	shalt  }
0x5e: {  	_ =	shalt  }
0x5f: {  	_ =	shalt  }
0x60: {  	_ =	shalt  }
0x61: {  	_ =	shalt  }
0x62: {  	_ =	shalt  }
0x63: {  	_ =	shalt  }
0x64: {  	_ =	shalt  }
0x65: {  	_ =	shalt  }
0x66: {  	_ =	shalt  }
0x67: {  	_ =	shalt  }
0x68: {  	_ =	shalt  }
0x69: {  	_ =	shalt  }
0x6a: {  	_ =	shalt  }
0x6b: {  	_ =	shalt  }
0x6c: {  	_ =	shalt  }
0x6d: {  	_ =	shalt  }
0x6e: {  	_ =	shalt  }
0x6f: {  	_ =	shalt  }
0x70: {  	_ =	shalt  }
0x71: {  	_ =	shalt  }
0x72: {  	_ =	shalt  }
0x73: {  	_ =	shalt  }
0x74: {  	_ =	shalt  }
0x75: {  	_ =	shalt  }
0x76: {  	_ =	shalt  }
0x77: {  	_ =	shalt  }
0x78: {  	_ =	shalt  }
0x79: {  	_ =	shalt  }
0x7a: {  	_ =	shalt  }
0x7b: {  	_ =	shalt  }
0x7c: {  	_ =	shalt  }
0x7d: {  	_ =	shalt  }
0x7e: {  	_ =	shalt  }
0x7f: {  	_ =	shalt  }
0x80: {  	_ =	shalt  }
0x81: {  	_ =	shalt  }
0x82: {  	_ =	shalt  }
0x83: {  	_ =	shalt  }
0x84: {  	_ =	shalt  }
0x85: {  	_ =	shalt  }
0x86: {  	_ =	shalt  }
0x87: {  	_ =	shalt  }
.Lfunc_end0:
.L_simem_size_0:
called_computation.3_lowered:
.L_overlay_start_0:
0x88: {  	s2 =	sld [smem:$0x3FD9]  }
0x89: {  	s3 =	sld [smem:$0x3FFE];
	_ =	sdelay $0x1  }
0x8a: {  	s1 =	srdreg.scid  }
0x8b: {  	s0 =	sand.u32 $0x1, s1  }
0x8c: {  	s17 =	sshll.u32 s0, $0xA;
	s2 =	sadd.s32 s3, s2  }
0x8d: {  	s2 =	sadd.s32 s2, s17  }
0x8e: {  	[smem:$0x3FA8] =	sst s2  }
0x8f: {  	_ = 	snop  }
0x90: {  	s2 =	sld [smem:$0x3FD0];
	(tm) =	ssettm $0x1  }
0x91: {  	s18 =	sld [smem:$0x3FFB];
	_ =	sdelay $0x3  }
0x92: {  	_ =	strace s18  }
0x93: {  	s3 =	sld [smem:$0x3FFC];
	_ =	sdelay $0x3  }
0x94: {  	_ =	strace s3  }
0x95: {  	s3 =	sld [smem:$0x3FFD];
	_ =	sdelay $0x3  }
0x96: {  	_ =	strace s3  }
0x97: {  	_ =	strace $0x8FFFFFFF  }
0x98: {  	s19 =	sld [smem:$0x3FDB];
	_ =	sdelay $0x1  }
0x99: {  	s4 =	simm.s32 $_scs_section_size  }
0x9a: {  	s5 =	simm.s32 $_size__tile_overlayer_lowered;
	s6 =	simm.s32 $_tile_overlayer_lowered  }
0x9b: {  	s22 =	simm.s32 $0x1BFF;
	s21 =	sshll.u32 s6, $0x1;
	s3 =	sadd.s32 s4, s19  }
0x9c: {  	s7 =	simm.s32 $0x0;
	s20 =	sshll.u32 s5, $0x1;
	s5 =	sadd.s32 s21, s3  }
0x9d: {  	[timem:s7], [sflag:s22] =	dma.local [hbm:s5], s20  }
0x9e: {  	_ =	swait.ge [sflag:s22], s20  }
0x9f: {  	s4 =	ssub.s32 $0x0, s20;
	[sflag:s22] =	ssyncset.done $0x0  }
0xa0: {  	[sflag:s22] =	ssyncadd.s32 s4;
	_ =	sdelay $0x1  }
0xa1: {  	s23 =	simm.s32 $0x1B8B  }
0xa2: {  	_ =	swait.ge [sflag:s23], $0x1  }
0xa3: {  	[sflag:s23] =	ssyncset.done $0x0  }
0xa4: {  	s25 =	simm.s32 $0x1B8E;
	s24 =	sld [smem:$0x3FFE];
	[sflag:s23] =	ssyncadd.s32 $0xFFFFFFFF  }
0xa5: {  	s26 =	simm.s32 $execute0_lowered;
	[smem:$0x3FD2] =	sst s25  }
0xa6: {  	s5 =	sshll.u32 s26, $0x1;
	_ =	strace $0x8000004F;
	[dreg:$0x1] =	wrdreg $0xFFFFFFFF  }
0xa7: {  	s28 =	simm.s32 $_size_execute0_lowered;
	s3 =	sadd.s32 s3, s5;
	[dreg:$0x0] =	wrdreg $0x0  }
0xa8: {  	s5 =	sshll.u32 s28, $0x1;
	[dreg:$0x2] =	wrdreg s3  }
0xa9: {  	[dreg:$0x3] =	wrdreg s5  }
0xaa: {  	[dreg:$0x4] =	wrdreg $0xC0  }
0xab: {  	_ =	task [dreg:s7], $0x5FFFF  }
0xac: {  	[dreg:$0x1] =	wrdreg $0xFFFFFFFF  }
0xad: {  	[dreg:$0x0] =	wrdreg $0x60  }
0xae: {  	[dreg:$0x2] =	wrdreg s2  }
0xaf: {  	[dreg:$0x3] =	wrdreg s24  }
0xb0: {  	[dreg:$0x4] =	wrdreg $0x9  }
0xb1: {  	_ =	task.clear_ibuf [dreg:s7], $0x5FFFF;
	_ =	strace $0x9000004F  }
0xb2: {  	s29 =	simm.s32 $0x9;
	_ =	strace $0x80000051  }
0xb3: {  	_ =	swait.ge [sflag:s29], $0x1  }
0xb4: {  	[sflag:s29] =	ssyncadd.s32 $0xFFFFFFFF  }
0xb5: {  	_ =	strace $0x90000051  }
0xb6: {  	_ =	sfence  }
0xb7: {  	s30 =	sld [smem:$0x0];
	_ =	sdelay $0x2  }
0xb8: {  	s31 =	sshll.u32 s1, $0xD;
	s1 =	sshrl.u32 s1, $0x2  }
0xb9: {  	s3 =	sand.u32 $0x4000, s31;
	s1 =	sadd.s32 s1, s30  }
0xba: {  	s0 =	sor.u32 s3, s0;
	s1 =	sshll.u32 s1, $0x11  }
0xbb: {  	s0 =	sor.u32 s1, s0  }
0xbc: {  	s0 =	sadd.s32 $0x8F2B, s0  }
0xbd: {  	[sflag:s0] =	ssyncadd.remote.s32 $0x1  }
0xbe: {  	_ =	sfence.sel $0xFFFF  }
0xbf: {  	[dreg:$0x0] =	wrdreg $0xFFFFFFFF;
	(pc) =	sbr.abs _section_cstart, $3  }
0xc0: {  	[dreg:$0x1] =	wrdreg $0xFFFFFFFF  }
0xc1: {  	_ =	task.clear_ibuf [dreg:s7], $0x2FFFF;
	_ =	strace $0x9FFFFFFF  }
0xc2: {  	(tm) =	ssettm $0x7FFFFFFF  }
0xc3: {  	_ =	shalt  }
tec
execute0_lowered:
.L_overlay_start_1:
0x0: {  	(tag) =	ssettag $0x1  }
0x1: {  	s2 =	rddreg [dreg:$0x0]  }
0x2: {  	s7 =	rddreg [dreg:$0x1]  }
0x3: {  	s0 =	rddreg [dreg:$0x2]  }
0x4: {  	s1 =	srdreg.scid;
	_ =	strace $0x80000050;
	s4 =	simm.s32 $0x1  }
0x5: {  	s9 =	simm.s32 $0x3;
	s11 =	simm.s32 $0x0;
	s5 =	sshll.u32 s1, $0x4  }
.Ltmp0:
0x6: {  	s1 =	stileid.u32;
	s5 =	sand.u32 $0x10, s5;
	(pc) =	sbr.rel .LBB2_1-.Ltmp0, $4  }
0x7: {  	p0 =	por $0x0, $0x0;
	s3 =	sadd.s32 $0xA8000, s7;
	s6 =	sor.u32 s1, s5  }
0x8: {  	[sflag:s4] =	ssyncpa.u1 $0x0;
	s5 =	simm.s32 $0x2;
	s6 =	sshll.u32 s6, $0x6  }
0x9: {  	s7 =	sadd.s32 $0x68000, s7;
	[sflag:s5] =	ssyncpa.u1 $0x0;
	s8 =	sadd.s32 $0x40, s6  }
0xa: {  	vm0 =	vmmov $0xff;
	vm1 =	vcmask $0x3F20;
	[sflag:s9] =	ssyncpa.u1 $0x0;
	s10 =	smov.u32 s6;
	s9 =	simm.s32 $0x0  }
.LBB2_9:
0xb: {  	p1 =	slt.u32 s9, $0x2;
	s11 =	sadd.s32 $0x20, s10  }
0xc: {  	s13 =	smov.u32 s6;
	s9 =	sadd.s32 $0x1, s9;
	p2 =	slt.s32 s11, s8  }
0xd: {  	s13 =	smov.u32 @p2 s11;
	p2 =	sne.s32 s9, $0x4  }
.Ltmp1:
0xe: {  	_ = 	snop;
	(pc) =	sbr.rel @!p2 .LBB2_10-.Ltmp1, $4  }
0xf: {  	s12 =	simm.s32 @!p1 $0x3  }
0x10: {  	_ =	swait.ge @!p1 [sflag:s12], $0x8000  }
0x11: {  	p0 =	por !p0, !p0;
	[sflag:s12] =	ssyncset.done @!p1 $0x0  }
0x12: {  	s11 =	smov.u32 s10;
	s10 =	smov.u32 s13;
	[sflag:s12] =	ssyncadd.s32 @!p1 $0xFFFF8000  }
.LBB2_1:
0x13: {  	p1 =	sgt.u32 s9, $0x1  }
0x14: {  	s12 =	sshll.u32 @!p1 s9, $0x5;
	s13 =	sshrl.u32 @!p1 s10, $0x3  }
0x15: {  	s14 =	sand.u32 @!p1 $0x7, s10;
	s12 =	sxor.u32 @!p1 $0x20, s12;
	s13 =	sadd.s32 @!p1 s3, s13  }
0x16: {  	[tilespmem:s12], [sflag:$0x2] =	stream.linear.gather @!p1 [hbm4b:s13+s14], $0x20, $0x38;
	[tilespmem:$0x10040] =	vst v63  }
0x17: {  	p1 =	seq.s32 s9, $0x0  }
0x18: {  	p2 =	seq.s32 @!p1 s9, $0x3  }
0x19: {  	p1 =	por p1, p2  }
.Ltmp2:
0x1a: {  	_ = 	snop;
	(pc) =	sbr.rel @p1 .LBB2_9-.Ltmp2, $1  }
0x1b: {  	_ =	sdelay $0x3  }
0x1c: {  	s12 =	simm.s32 $0x1  }
0x1d: {  	_ =	swait.ge [sflag:s5], $0x20;
	s13 =	sand.u32 $0x1, s9;
	s12 =	simm.s32 @!p0 $0x0  }
0x1e: {  	s15 =	simm.s32 $0x0;
	p2 =	por $0x1, $0x1;
	s12 =	sshll.u32 s12, $0x11  }
0x1f: {  	[sflag:s5] =	ssyncset.done $0x0;
	s13 =	sshll.u32 s13, $0x5;
	s14 =	sshrl.u32 s12, $0x2  }
0x20: {  	[sflag:s5] =	ssyncadd.s32 $0xFFFFFFE0;
	s12 =	sor.u32 $0x40, s14;
	s14 =	sadd.s32 $0x40, s14  }
.LBB2_3:
0x21: {  	s16 =	sshll.u32 s15, $0x4  }
0x22: {  	s16 =	sand.u32 $0x3FFFFFF0, s16  }
0x23: {  	s16 =	sadd.s32 s16, s13  }
0x24: {  	v0 =	vld.msk [tilespmem:s16+$0x0 ss:$0x1], $0xffff;
	_ =	sdelay $0x4  }
0x25: {  	v1 =	vshrl.u32 v0, $0xB  }
0x26: {  	vm2 =	veq.s32 v0, $0x80000000;
	v0 =	vshll.u32 v0, $0xD;
	v1 =	vand.u32 $0x7, v1  }
0x27: {  	v0 =	vand.u32 $0xFFE000, v0;
	v1 =	vsel vm2, $0xFFFFFFFF, v1  }
0x28: {  	v0 =	vsel vm2, $0xFFFFE000, v0;
	v2 =	vand.u32 $0xFFFFE000, v1;
	v1 =	vshll.u32 v1, $0x7  }
0x29: {  	v0 =	vadd.s32 v0, v2;
	v1 =	vand.u32 $0x380, v1  }
0x2a: {  	v0 =	vor.u32 v1, v0  }
0x2b: {  	v0 =	vshrl.u32 v0, $0x3  }
0x2c: {  	s31 =	sshll.u32 s15, $0x10  }
0x2d: {  	s15 =	sshra.s32 s31, $0x2  }
0x2e: {  	s15 =	sadd.s32 s15, s14  }
0x2f: {  	s17 =	sadd.s32 $0x0, s15  }
0x30: {  	[tilespmem:s17], [sflag:$0x1] =	stream.indirect_vreg.gather [hbm:s2], $0x80, v0, vm0, $0x38;
	[tilespmem:$0x10040] =	vst v63  }
0x31: {  	p1 =	por p2, p2;
	s16 =	simm.s32 $0x1000;
	v1 =	vadd.s32 $0x80, v0;
	s17 =	sadd.s32 $0x2000, s17  }
.LBB2_4:
0x32: {  	[tilespmem:s17], [sflag:$0x1] =	stream.indirect_vreg.gather [hbm:s2], $0x80, v0, vm1, $0x38;
	[tilespmem:$0x10040] =	vst v63  }
0x33: {  	v0 =	vmov v1;
	s17 =	smov.u32 s16;
	p2 =	sne.s32 s16, $0x7000  }
.Ltmp3:
0x34: {  	s16 =	sadd.s32 $0x1000, s16;
	(pc) =	sbr.rel @p2 .LBB2_4-.Ltmp3, $4  }
0x35: {  	s17 =	sshra.s32 s17, $0x2  }
0x36: {  	s17 =	sadd.s32 s17, s15  }
0x37: {  	[tilespmem:s17], [sflag:$0x1] =	stream.indirect_vreg.gather [hbm:s2], $0x80, v1, vm0, $0x38;
	[tilespmem:$0x10040] =	vst v63  }
0x38: {  	s17 =	sadd.s32 $0x2000, s17;
	v1 =	vadd.s32 $0x80, v1  }
0x39: {  	_ = 	snop  }
.Ltmp4:
0x3a: {  	_ = 	snop;
	(pc) =	sbr.rel @p1 .LBB2_3-.Ltmp4, $3  }
0x3b: {  	_ =	sdelay $0x1  }
0x3c: {  	[tilespmem:s17], [sflag:$0x1] =	stream.indirect_vreg.gather [hbm:s2], $0x80, v0, vm1, $0x38;
	[tilespmem:$0x10040] =	vst v63  }
0x3d: {  	s15 =	simm.s32 $0x1;
	p2 =	por $0x0, $0x0  }
0x3e: {  	s13 =	sshll.u32 s11, $0x7  }
0x3f: {  	s31 =	sshll.u32 s11, $0x4;
	s13 =	sand.u32 $0xFFFFFC00, s13  }
0x40: {  	_ =	swait.ge [sflag:s4], $0x8000;
	s11 =	sand.u32 $0x70, s31;
	s13 =	sadd.s32 s13, s7  }
0x41: {  	s14 =	sadd.s32 $0x2000, s12;
	[sflag:s4] =	ssyncset.done $0x0;
	s11 =	sadd.s32 s11, s13  }
0x42: {  	[sflag:s4] =	ssyncadd.s32 $0xFFFF8000;
	s13 =	simm.s32 $0x400;
	s15 =	sadd.s32 $0x0, s11  }
.LBB2_7:
0x43: {  	[hbm:s15] =	stream.linear.scatter [tilespmem:s12], [sflag:$0x3], $0x2000, $0x38;
	[tilespmem:$0x10040] =	vst v63  }
0x44: {  	s15 =	smov.u32 s13;
	s12 =	smov.u32 s14;
	p1 =	sne.s32 s13, $0xC00  }
.Ltmp5:
0x45: {  	s13 =	sadd.s32 $0x400, s13;
	(pc) =	sbr.rel @p1 .LBB2_7-.Ltmp5, $2  }
0x46: {  	_ =	sdelay $0x2  }
0x47: {  	s14 =	sadd.s32 $0x2000, s14;
	s15 =	sadd.s32 s15, s11  }
.Ltmp6:
0x48: {  	(pc) =	sbr.rel .LBB2_9-.Ltmp6, $2  }
0x49: {  	_ =	sdelay $0x2  }
0x4a: {  	[hbm:s15] =	stream.linear.scatter [tilespmem:s12], [sflag:$0x3], $0x2000, $0x38;
	[tilespmem:$0x10040] =	vst v63  }
.LBB2_10:
0x4b: {  	_ =	sfence.sel $0x180000  }
0x4c: {  	s2 =	simm.s32 $0x2;
	[bflag:$0x0] =	sbarrier.arrive $0xFFFF  }
0x4d: {  	s30 =	simm.s32 $0x3;
	[sflag:s2] =	ssyncpa.u1 $0x1  }
0x4e: {  	s31 =	simm.s32 $0x1;
	[sflag:s30] =	ssyncpa.u1 $0x1  }
0x4f: {  	[sflag:s31] =	ssyncpa.u1 $0x1  }
0x50: {  	p0 =	sne.s32 s1, $0x0;
	_ =	strace $0x90000050  }
0x51: {  	s0 =	sadd.s32 @!p0 $0x100000, s0;
	[bflag:$0x2] =	sbarrier.arrive $0xFFFF  }
0x52: {  	[sflag:s0] =	ssyncadd.tile.s32 @!p0 $0x1;
	_ =	shalt  }
.Lfunc_end2:
_tile_overlayer_lowered:
.L_overlay_start_2:
0x53: {  	(tag) =	ssettag $0x2  }
0x54: {  	s0 =	rddreg [dreg:$0x0];
	s2 =	stileid.u32  }
0x55: {  	s1 =	rddreg [dreg:$0x1];
	p0 =	sne.s32 s2, $0x0  }
0x56: {  	s3 =	rddreg [dreg:$0x2];
	[bflag:$0x3] =	sbarrier.arrive $0xFFFF;
	s2 =	simm.s32 @!p0 $0x1C01  }
0x57: {  	[timem:s3], [sflag:s2] =	dma.local @!p0 [hbm:s0], s1  }
0x58: {  	s0 =	simm.s32 @!p0 $0x1  }
0x59: {  	_ =	swait.ge @!p0 [sflag:s0], s1  }
0x5a: {  	s1 =	ssub.s32 @!p0 $0x0, s1;
	[sflag:s0] =	ssyncset.done @!p0 $0x0  }
0x5b: {  	[sflag:s0] =	ssyncadd.s32 @!p0 s1  }
0x5c: {  	[bflag:$0x3] =	sbarrier.arrive $0xFFFF  }
0x5d: {  	_ =	shalt  }

// kernel: gather_offload_async_start.2
scs
__scs_entry_jumppad:
0x0: {  	(pc) =	sbr.rel $0x88, $3  }
0x1: {  	(tag) =	ssettag $0x0;
	lr =	simm.s32 $0x1  }
0x2: {  	[smem:$0x3F81] =	sst lr;
	_ =	strace $0xD0000000  }
0x3: {  	_ = 	snop  }
0x4: {  	_ = 	snop  }
0x5: {  	_ = 	snop  }
0x6: {  	_ = 	snop  }
0x7: {  	_ = 	snop  }
__scs_overlays_trampoline_lowered:
0x8: {  	[smem:$0x3F90] =	sst s0  }
0x9: {  	[smem:$0x3F91] =	sst s1  }
0xa: {  	[smem:$0x3F92] =	sst s2  }
0xb: {  	[smem:$0x3F93] =	sst s3  }
0xc: {  	[smem:$0x3F94] =	sst s4  }
0xd: {  	[smem:$0x3F95] =	sst s5  }
0xe: {  	[smem:$0x3F96] =	sst s6  }
0xf: {  	[smem:$0x3F97] =	sst s7  }
0x10: {  	[smem:$0x3F98] =	sst s8  }
0x11: {  	[smem:$0x3F99] =	sst s9;
	s0 =	simm.s32 @!p0 $0x0  }
0x12: {  	s1 =	sld [smem:$0x3F7F];
	s0 =	simm.s32 @p0 $0x1  }
0x13: {  	[smem:$0x3F9A] =	sst s0;
	s0 =	simm.s32 @!p1 $0x0  }
0x14: {  	s2 =	sld [smem:$0x3F7E];
	s0 =	simm.s32 @p1 $0x1  }
0x15: {  	[smem:$0x3F9B] =	sst s0;
	s0 =	simm.s32 @!p2 $0x0  }
0x16: {  	s3 =	sld [smem:$0x3FDB];
	s0 =	simm.s32 @p2 $0x1  }
0x17: {  	s4 =	simm.s32 $0x1BF5;
	[smem:$0x3F9D] =	sst s0  }
0x18: {  	s0 =	sld [smem:$0x3F80];
	_ =	swait.ge [sflag:s4], $0x0  }
0x19: {  	s7 =	sld [smem:$0x3F81]  }
0x1a: {  	s8 =	sadd.s32 $0xFFFFE003, lr  }
0x1b: {  	s9 =	sadd.s32 $0xFFFFFEF7, lr;
	s5 =	simm.s32 $0xFFFFFFFF;
	p2 =	slt.u32 s8, $0xFFFFF086  }
0x1c: {  	p1 =	slt.u32 s9, $0xF7A;
	s5 =	simm.s32 @!p2 $0x0  }
0x1d: {  	s5 =	simm.s32 @p1 $0x1;
	p0 =	seq.s32 s7, s2  }
0x1e: {  	s7 =	smul.u32 @!p0 $0xF7A, s2;
	p2 =	seq.s32 @!p0 s5, $0x0  }
0x1f: {  	s9 =	smul.u32 $0xF7A, s1;
	s8 =	simm.s32 @!p0 $0x1BF5;
	p2 =	por !p2, p0  }
0x20: {  	[sflag:s8] =	ssyncset.s32 @!p0 $0xFFFFF086;
	s6 =	sadd.s32 @!p0 s3, s7;
	s7 =	simm.s32 @!p0 $0x108  }
0x21: {  	s3 =	sadd.s32 s3, s9;
	s6 =	sadd.s32 @!p0 $0x88, s6;
	s7 =	simm.s32 @p2 $0x1082  }
0x22: {  	[simem:s7], [sflag:s8] =	dma.local @!p0 [hbm:s6], $0xF7A  }
0x23: {  	s9 =	sor.u32 $0xD0000000, s2;
	s6 =	simm.s32 $0x108;
	_ =	swait.ge @!p0 [sflag:s8], $0x0  }
0x24: {  	s3 =	sadd.s32 $0x88, s3;
	s6 =	simm.s32 @!p1 $0x1082;
	[sflag:s4] =	ssyncset.s32 $0xFFFFF086  }
0x25: {  	[simem:s6], [sflag:s4] =	dma.local [hbm:s3], $0xF7A  }
0x26: {  	[smem:$0x3F81] =	sst s1;
	(tag) =	ssettag s2;
	_ =	strace s9  }
0x27: {  	s1 =	sld [smem:$0x3F91]  }
0x28: {  	s2 =	sld [smem:$0x3F92]  }
0x29: {  	s4 =	sld [smem:$0x3F94]  }
0x2a: {  	p0 =	seq.s32 s5, $0x0;
	s5 =	sld [smem:$0x3F95]  }
0x2b: {  	s6 =	sld [smem:$0x3F96]  }
0x2c: {  	s7 =	sld [smem:$0x3F97]  }
0x2d: {  	s3 =	simm.s32 $0x108;
	s8 =	sld [smem:$0x3F98]  }
0x2e: {  	s3 =	simm.s32 @!p0 $0x1082;
	s9 =	sld [smem:$0x3F99]  }
0x2f: {  	lr =	sadd.s32 s0, s3;
	s0 =	sld [smem:$0x3F90]  }
0x30: {  	s3 =	sld [smem:$0x3F93]  }
0x31: {  	[smem:$0x3F9C] =	sst s10  }
0x32: {  	s10 =	sld [smem:$0x3F9A];
	_ =	sdelay $0x3  }
0x33: {  	p0 =	seq.s32 s10, $0x1;
	s10 =	sld [smem:$0x3F9C];
	_ =	sdelay $0x3  }
0x34: {  	[smem:$0x3F9C] =	sst s10  }
0x35: {  	s10 =	sld [smem:$0x3F9B];
	_ =	sdelay $0x3  }
0x36: {  	p1 =	seq.s32 s10, $0x1;
	s10 =	sld [smem:$0x3F9C];
	_ =	sdelay $0x3  }
0x37: {  	[smem:$0x3F9C] =	sst s10  }
0x38: {  	s10 =	sld [smem:$0x3F9D]  }
0x39: {  	_ = 	snop;
	(pc) =	sbr.ind lr, $3  }
0x3a: {  	_ = 	snop  }
0x3b: {  	_ = 	snop  }
0x3c: {  	p2 =	seq.s32 s10, $0x1;
	s10 =	sld [smem:$0x3F9C]  }
0x3d: {  	_ =	shalt  }
0x3e: {  	_ =	shalt  }
0x3f: {  	_ =	shalt  }
0x40: {  	_ =	shalt  }
0x41: {  	_ =	shalt  }
0x42: {  	_ =	shalt  }
0x43: {  	_ =	shalt  }
0x44: {  	_ =	shalt  }
0x45: {  	_ =	shalt  }
0x46: {  	_ =	shalt  }
0x47: {  	_ =	shalt  }
0x48: {  	_ =	shalt  }
0x49: {  	_ =	shalt  }
0x4a: {  	_ =	shalt  }
0x4b: {  	_ =	shalt  }
0x4c: {  	_ =	shalt  }
0x4d: {  	_ =	shalt  }
0x4e: {  	_ =	shalt  }
0x4f: {  	_ =	shalt  }
0x50: {  	_ =	shalt  }
0x51: {  	_ =	shalt  }
0x52: {  	_ =	shalt  }
0x53: {  	_ =	shalt  }
0x54: {  	_ =	shalt  }
0x55: {  	_ =	shalt  }
0x56: {  	_ =	shalt  }
0x57: {  	_ =	shalt  }
0x58: {  	_ =	shalt  }
0x59: {  	_ =	shalt  }
0x5a: {  	_ =	shalt  }
0x5b: {  	_ =	shalt  }
0x5c: {  	_ =	shalt  }
0x5d: {  	_ =	shalt  }
0x5e: {  	_ =	shalt  }
0x5f: {  	_ =	shalt  }
0x60: {  	_ =	shalt  }
0x61: {  	_ =	shalt  }
0x62: {  	_ =	shalt  }
0x63: {  	_ =	shalt  }
0x64: {  	_ =	shalt  }
0x65: {  	_ =	shalt  }
0x66: {  	_ =	shalt  }
0x67: {  	_ =	shalt  }
0x68: {  	_ =	shalt  }
0x69: {  	_ =	shalt  }
0x6a: {  	_ =	shalt  }
0x6b: {  	_ =	shalt  }
0x6c: {  	_ =	shalt  }
0x6d: {  	_ =	shalt  }
0x6e: {  	_ =	shalt  }
0x6f: {  	_ =	shalt  }
0x70: {  	_ =	shalt  }
0x71: {  	_ =	shalt  }
0x72: {  	_ =	shalt  }
0x73: {  	_ =	shalt  }
0x74: {  	_ =	shalt  }
0x75: {  	_ =	shalt  }
0x76: {  	_ =	shalt  }
0x77: {  	_ =	shalt  }
0x78: {  	_ =	shalt  }
0x79: {  	_ =	shalt  }
0x7a: {  	_ =	shalt  }
0x7b: {  	_ =	shalt  }
0x7c: {  	_ =	shalt  }
0x7d: {  	_ =	shalt  }
0x7e: {  	_ =	shalt  }
0x7f: {  	_ =	shalt  }
0x80: {  	_ =	shalt  }
0x81: {  	_ =	shalt  }
0x82: {  	_ =	shalt  }
0x83: {  	_ =	shalt  }
0x84: {  	_ =	shalt  }
0x85: {  	_ =	shalt  }
0x86: {  	_ =	shalt  }
0x87: {  	_ =	shalt  }
.Lfunc_end0:
.L_simem_size_0:
called_computation.4_lowered:
.L_overlay_start_0:
0x88: {  	s2 =	sld [smem:$0x3FD9]  }
0x89: {  	s3 =	sld [smem:$0x3FFE];
	_ =	sdelay $0x1  }
0x8a: {  	s1 =	srdreg.scid  }
0x8b: {  	s0 =	sand.u32 $0x1, s1  }
0x8c: {  	s17 =	sshll.u32 s0, $0xA;
	s2 =	sadd.s32 s3, s2  }
0x8d: {  	s2 =	sadd.s32 s2, s17  }
0x8e: {  	[smem:$0x3FA8] =	sst s2  }
0x8f: {  	_ = 	snop  }
0x90: {  	s2 =	sld [smem:$0x3FD0];
	(tm) =	ssettm $0x1  }
0x91: {  	s18 =	sld [smem:$0x3FFB];
	_ =	sdelay $0x3  }
0x92: {  	_ =	strace s18  }
0x93: {  	s3 =	sld [smem:$0x3FFC];
	_ =	sdelay $0x3  }
0x94: {  	_ =	strace s3  }
0x95: {  	s3 =	sld [smem:$0x3FFD];
	_ =	sdelay $0x3  }
0x96: {  	_ =	strace s3  }
0x97: {  	_ =	strace $0x8FFFFFFF  }
0x98: {  	s19 =	sld [smem:$0x3FDB];
	_ =	sdelay $0x1  }
0x99: {  	s4 =	simm.s32 $_scs_section_size  }
0x9a: {  	s5 =	simm.s32 $_size__tile_overlayer_lowered;
	s6 =	simm.s32 $_tile_overlayer_lowered  }
0x9b: {  	s22 =	simm.s32 $0x1BFF;
	s21 =	sshll.u32 s6, $0x1;
	s3 =	sadd.s32 s4, s19  }
0x9c: {  	s7 =	simm.s32 $0x0;
	s20 =	sshll.u32 s5, $0x1;
	s5 =	sadd.s32 s21, s3  }
0x9d: {  	[timem:s7], [sflag:s22] =	dma.local [hbm:s5], s20  }
0x9e: {  	_ =	swait.ge [sflag:s22], s20  }
0x9f: {  	s4 =	ssub.s32 $0x0, s20;
	[sflag:s22] =	ssyncset.done $0x0  }
0xa0: {  	[sflag:s22] =	ssyncadd.s32 s4;
	_ =	sdelay $0x1  }
0xa1: {  	s23 =	simm.s32 $0x1B8B  }
0xa2: {  	_ =	swait.ge [sflag:s23], $0x1  }
0xa3: {  	[sflag:s23] =	ssyncset.done $0x0  }
0xa4: {  	s25 =	simm.s32 $0x1B8E;
	s24 =	sld [smem:$0x3FFE];
	[sflag:s23] =	ssyncadd.s32 $0xFFFFFFFF  }
0xa5: {  	s26 =	simm.s32 $execute0_lowered;
	[smem:$0x3FD2] =	sst s25  }
0xa6: {  	s5 =	sshll.u32 s26, $0x1;
	_ =	strace $0x8000004C;
	[dreg:$0x1] =	wrdreg $0xFFFFFFFF  }
0xa7: {  	s28 =	simm.s32 $_size_execute0_lowered;
	s3 =	sadd.s32 s3, s5;
	[dreg:$0x0] =	wrdreg $0x0  }
0xa8: {  	s5 =	sshll.u32 s28, $0x1;
	[dreg:$0x2] =	wrdreg s3  }
0xa9: {  	[dreg:$0x3] =	wrdreg s5  }
0xaa: {  	[dreg:$0x4] =	wrdreg $0xC0  }
0xab: {  	_ =	task [dreg:s7], $0x5FFFF  }
0xac: {  	[dreg:$0x1] =	wrdreg $0xFFFFFFFF  }
0xad: {  	[dreg:$0x0] =	wrdreg $0x60  }
0xae: {  	[dreg:$0x2] =	wrdreg s2  }
0xaf: {  	[dreg:$0x3] =	wrdreg s24  }
0xb0: {  	[dreg:$0x4] =	wrdreg $0x9  }
0xb1: {  	_ =	task.clear_ibuf [dreg:s7], $0x5FFFF;
	_ =	strace $0x9000004C  }
0xb2: {  	s29 =	simm.s32 $0x9;
	_ =	strace $0x8000004E  }
0xb3: {  	_ =	swait.ge [sflag:s29], $0x1  }
0xb4: {  	[sflag:s29] =	ssyncadd.s32 $0xFFFFFFFF  }
0xb5: {  	_ =	strace $0x9000004E  }
0xb6: {  	_ =	sfence  }
0xb7: {  	s30 =	sld [smem:$0x0];
	_ =	sdelay $0x2  }
0xb8: {  	s31 =	sshll.u32 s1, $0xD;
	s1 =	sshrl.u32 s1, $0x2  }
0xb9: {  	s3 =	sand.u32 $0x4000, s31;
	s1 =	sadd.s32 s1, s30  }
0xba: {  	s0 =	sor.u32 s3, s0;
	s1 =	sshll.u32 s1, $0x11  }
0xbb: {  	s0 =	sor.u32 s1, s0  }
0xbc: {  	s0 =	sadd.s32 $0x8F2B, s0  }
0xbd: {  	[sflag:s0] =	ssyncadd.remote.s32 $0x1  }
0xbe: {  	_ =	sfence.sel $0xFFFF  }
0xbf: {  	[dreg:$0x0] =	wrdreg $0xFFFFFFFF;
	(pc) =	sbr.abs _section_cstart, $3  }
0xc0: {  	[dreg:$0x1] =	wrdreg $0xFFFFFFFF  }
0xc1: {  	_ =	task.clear_ibuf [dreg:s7], $0x2FFFF;
	_ =	strace $0x9FFFFFFF  }
0xc2: {  	(tm) =	ssettm $0x7FFFFFFF  }
0xc3: {  	_ =	shalt  }
tec
execute0_lowered:
.L_overlay_start_1:
0x0: {  	(tag) =	ssettag $0x1  }
0x1: {  	s2 =	rddreg [dreg:$0x0]  }
0x2: {  	s7 =	rddreg [dreg:$0x1]  }
0x3: {  	s0 =	rddreg [dreg:$0x2]  }
0x4: {  	s1 =	srdreg.scid;
	_ =	strace $0x8000004D;
	s4 =	simm.s32 $0x1  }
0x5: {  	s9 =	simm.s32 $0x3;
	s11 =	simm.s32 $0x0;
	s5 =	sshll.u32 s1, $0x4  }
.Ltmp0:
0x6: {  	s1 =	stileid.u32;
	s5 =	sand.u32 $0x10, s5;
	(pc) =	sbr.rel .LBB2_1-.Ltmp0, $4  }
0x7: {  	p0 =	por $0x0, $0x0;
	s3 =	sadd.s32 $0x280800, s7;
	s6 =	sor.u32 s1, s5  }
0x8: {  	[sflag:s4] =	ssyncpa.u1 $0x0;
	s5 =	simm.s32 $0x2;
	s6 =	sshll.u32 s6, $0x6  }
0x9: {  	s7 =	sadd.s32 $0x68000, s7;
	[sflag:s5] =	ssyncpa.u1 $0x0;
	s8 =	sadd.s32 $0x40, s6  }
0xa: {  	vm0 =	vmmov $0xff;
	vm1 =	vcmask $0x3F20;
	[sflag:s9] =	ssyncpa.u1 $0x0;
	s10 =	smov.u32 s6;
	s9 =	simm.s32 $0x0  }
.LBB2_9:
0xb: {  	p1 =	slt.u32 s9, $0x2;
	s11 =	sadd.s32 $0x20, s10  }
0xc: {  	s13 =	smov.u32 s6;
	s9 =	sadd.s32 $0x1, s9;
	p2 =	slt.s32 s11, s8  }
0xd: {  	s13 =	smov.u32 @p2 s11;
	p2 =	sne.s32 s9, $0x4  }
.Ltmp1:
0xe: {  	_ = 	snop;
	(pc) =	sbr.rel @!p2 .LBB2_10-.Ltmp1, $4  }
0xf: {  	s12 =	simm.s32 @!p1 $0x3  }
0x10: {  	_ =	swait.ge @!p1 [sflag:s12], $0x8000  }
0x11: {  	p0 =	por !p0, !p0;
	[sflag:s12] =	ssyncset.done @!p1 $0x0  }
0x12: {  	s11 =	smov.u32 s10;
	s10 =	smov.u32 s13;
	[sflag:s12] =	ssyncadd.s32 @!p1 $0xFFFF8000  }
.LBB2_1:
0x13: {  	p1 =	sgt.u32 s9, $0x1  }
0x14: {  	s12 =	sshll.u32 @!p1 s9, $0x5;
	s13 =	sshrl.u32 @!p1 s10, $0x3  }
0x15: {  	s14 =	sand.u32 @!p1 $0x7, s10;
	s12 =	sxor.u32 @!p1 $0x20, s12;
	s13 =	sadd.s32 @!p1 s3, s13  }
0x16: {  	[tilespmem:s12], [sflag:$0x2] =	stream.linear.gather @!p1 [hbm4b:s13+s14], $0x20, $0x38;
	[tilespmem:$0x10040] =	vst v63  }
0x17: {  	p1 =	seq.s32 s9, $0x0  }
0x18: {  	p2 =	seq.s32 @!p1 s9, $0x3  }
0x19: {  	p1 =	por p1, p2  }
.Ltmp2:
0x1a: {  	_ = 	snop;
	(pc) =	sbr.rel @p1 .LBB2_9-.Ltmp2, $1  }
0x1b: {  	_ =	sdelay $0x3  }
0x1c: {  	s12 =	simm.s32 $0x1  }
0x1d: {  	_ =	swait.ge [sflag:s5], $0x20;
	s13 =	sand.u32 $0x1, s9;
	s12 =	simm.s32 @!p0 $0x0  }
0x1e: {  	s15 =	simm.s32 $0x0;
	p2 =	por $0x1, $0x1;
	s12 =	sshll.u32 s12, $0x11  }
0x1f: {  	[sflag:s5] =	ssyncset.done $0x0;
	s13 =	sshll.u32 s13, $0x5;
	s14 =	sshrl.u32 s12, $0x2  }
0x20: {  	[sflag:s5] =	ssyncadd.s32 $0xFFFFFFE0;
	s12 =	sor.u32 $0x40, s14;
	s14 =	sadd.s32 $0x40, s14  }
.LBB2_3:
0x21: {  	s16 =	sshll.u32 s15, $0x4  }
0x22: {  	s16 =	sand.u32 $0x3FFFFFF0, s16  }
0x23: {  	s16 =	sadd.s32 s16, s13  }
0x24: {  	v0 =	vld.msk [tilespmem:s16+$0x0 ss:$0x1], $0xffff;
	_ =	sdelay $0x4  }
0x25: {  	v1 =	vshrl.u32 v0, $0xB  }
0x26: {  	vm2 =	veq.s32 v0, $0x80000000;
	v0 =	vshll.u32 v0, $0xD;
	v1 =	vand.u32 $0x7, v1  }
0x27: {  	v0 =	vand.u32 $0xFFE000, v0;
	v1 =	vsel vm2, $0xFFFFFFFF, v1  }
0x28: {  	v0 =	vsel vm2, $0xFFFFE000, v0;
	v2 =	vand.u32 $0xFFFFE000, v1;
	v1 =	vshll.u32 v1, $0x7  }
0x29: {  	v0 =	vadd.s32 v0, v2;
	v1 =	vand.u32 $0x380, v1  }
0x2a: {  	v0 =	vor.u32 v1, v0  }
0x2b: {  	v0 =	vshrl.u32 v0, $0x3  }
0x2c: {  	s31 =	sshll.u32 s15, $0x10  }
0x2d: {  	s15 =	sshra.s32 s31, $0x2  }
0x2e: {  	s15 =	sadd.s32 s15, s14  }
0x2f: {  	s17 =	sadd.s32 $0x0, s15  }
0x30: {  	[tilespmem:s17], [sflag:$0x1] =	stream.indirect_vreg.gather [hbm:s2], $0x80, v0, vm0, $0x38;
	[tilespmem:$0x10040] =	vst v63  }
0x31: {  	p1 =	por p2, p2;
	s16 =	simm.s32 $0x1000;
	v1 =	vadd.s32 $0x80, v0;
	s17 =	sadd.s32 $0x2000, s17  }
.LBB2_4:
0x32: {  	[tilespmem:s17], [sflag:$0x1] =	stream.indirect_vreg.gather [hbm:s2], $0x80, v0, vm1, $0x38;
	[tilespmem:$0x10040] =	vst v63  }
0x33: {  	v0 =	vmov v1;
	s17 =	smov.u32 s16;
	p2 =	sne.s32 s16, $0x7000  }
.Ltmp3:
0x34: {  	s16 =	sadd.s32 $0x1000, s16;
	(pc) =	sbr.rel @p2 .LBB2_4-.Ltmp3, $4  }
0x35: {  	s17 =	sshra.s32 s17, $0x2  }
0x36: {  	s17 =	sadd.s32 s17, s15  }
0x37: {  	[tilespmem:s17], [sflag:$0x1] =	stream.indirect_vreg.gather [hbm:s2], $0x80, v1, vm0, $0x38;
	[tilespmem:$0x10040] =	vst v63  }
0x38: {  	s17 =	sadd.s32 $0x2000, s17;
	v1 =	vadd.s32 $0x80, v1  }
0x39: {  	_ = 	snop  }
.Ltmp4:
0x3a: {  	_ = 	snop;
	(pc) =	sbr.rel @p1 .LBB2_3-.Ltmp4, $3  }
0x3b: {  	_ =	sdelay $0x1  }
0x3c: {  	[tilespmem:s17], [sflag:$0x1] =	stream.indirect_vreg.gather [hbm:s2], $0x80, v0, vm1, $0x38;
	[tilespmem:$0x10040] =	vst v63  }
0x3d: {  	s15 =	simm.s32 $0x1;
	p2 =	por $0x0, $0x0  }
0x3e: {  	s13 =	sshll.u32 s11, $0x7  }
0x3f: {  	s31 =	sshll.u32 s11, $0x4;
	s13 =	sand.u32 $0xFFFFFC00, s13  }
0x40: {  	_ =	swait.ge [sflag:s4], $0x8000;
	s11 =	sand.u32 $0x70, s31;
	s13 =	sadd.s32 s13, s7  }
0x41: {  	s14 =	sadd.s32 $0x2000, s12;
	[sflag:s4] =	ssyncset.done $0x0;
	s11 =	sadd.s32 s11, s13  }
0x42: {  	[sflag:s4] =	ssyncadd.s32 $0xFFFF8000;
	s13 =	simm.s32 $0x400;
	s15 =	sadd.s32 $0x0, s11  }
.LBB2_7:
0x43: {  	[hbm:s15] =	stream.linear.scatter [tilespmem:s12], [sflag:$0x3], $0x2000, $0x38;
	[tilespmem:$0x10040] =	vst v63  }
0x44: {  	s15 =	smov.u32 s13;
	s12 =	smov.u32 s14;
	p1 =	sne.s32 s13, $0xC00  }
.Ltmp5:
0x45: {  	s13 =	sadd.s32 $0x400, s13;
	(pc) =	sbr.rel @p1 .LBB2_7-.Ltmp5, $2  }
0x46: {  	_ =	sdelay $0x2  }
0x47: {  	s14 =	sadd.s32 $0x2000, s14;
	s15 =	sadd.s32 s15, s11  }
.Ltmp6:
0x48: {  	(pc) =	sbr.rel .LBB2_9-.Ltmp6, $2  }
0x49: {  	_ =	sdelay $0x2  }
0x4a: {  	[hbm:s15] =	stream.linear.scatter [tilespmem:s12], [sflag:$0x3], $0x2000, $0x38;
	[tilespmem:$0x10040] =	vst v63  }
.LBB2_10:
0x4b: {  	_ =	sfence.sel $0x180000  }
0x4c: {  	s2 =	simm.s32 $0x2;
	[bflag:$0x0] =	sbarrier.arrive $0xFFFF  }
0x4d: {  	s30 =	simm.s32 $0x3;
	[sflag:s2] =	ssyncpa.u1 $0x1  }
0x4e: {  	s31 =	simm.s32 $0x1;
	[sflag:s30] =	ssyncpa.u1 $0x1  }
0x4f: {  	[sflag:s31] =	ssyncpa.u1 $0x1  }
0x50: {  	p0 =	sne.s32 s1, $0x0;
	_ =	strace $0x9000004D  }
0x51: {  	s0 =	sadd.s32 @!p0 $0x100000, s0;
	[bflag:$0x2] =	sbarrier.arrive $0xFFFF  }
0x52: {  	[sflag:s0] =	ssyncadd.tile.s32 @!p0 $0x1;
	_ =	shalt  }
.Lfunc_end2:
_tile_overlayer_lowered:
.L_overlay_start_2:
0x53: {  	(tag) =	ssettag $0x2  }
0x54: {  	s0 =	rddreg [dreg:$0x0];
	s2 =	stileid.u32  }
0x55: {  	s1 =	rddreg [dreg:$0x1];
	p0 =	sne.s32 s2, $0x0  }
0x56: {  	s3 =	rddreg [dreg:$0x2];
	[bflag:$0x3] =	sbarrier.arrive $0xFFFF;
	s2 =	simm.s32 @!p0 $0x1C01  }
0x57: {  	[timem:s3], [sflag:s2] =	dma.local @!p0 [hbm:s0], s1  }
0x58: {  	s0 =	simm.s32 @!p0 $0x1  }
0x59: {  	_ =	swait.ge @!p0 [sflag:s0], s1  }
0x5a: {  	s1 =	ssub.s32 @!p0 $0x0, s1;
	[sflag:s0] =	ssyncset.done @!p0 $0x0  }
0x5b: {  	[sflag:s0] =	ssyncadd.s32 @!p0 s1  }
0x5c: {  	[bflag:$0x3] =	sbarrier.arrive $0xFFFF  }
0x5d: {  	_ =	shalt  }

// kernel: gather_offload_async_start.3
scs
__scs_entry_jumppad:
0x0: {  	(pc) =	sbr.rel $0x88, $3  }
0x1: {  	(tag) =	ssettag $0x0;
	lr =	simm.s32 $0x1  }
0x2: {  	[smem:$0x3F81] =	sst lr;
	_ =	strace $0xD0000000  }
0x3: {  	_ = 	snop  }
0x4: {  	_ = 	snop  }
0x5: {  	_ = 	snop  }
0x6: {  	_ = 	snop  }
0x7: {  	_ = 	snop  }
__scs_overlays_trampoline_lowered:
0x8: {  	[smem:$0x3F90] =	sst s0  }
0x9: {  	[smem:$0x3F91] =	sst s1  }
0xa: {  	[smem:$0x3F92] =	sst s2  }
0xb: {  	[smem:$0x3F93] =	sst s3  }
0xc: {  	[smem:$0x3F94] =	sst s4  }
0xd: {  	[smem:$0x3F95] =	sst s5  }
0xe: {  	[smem:$0x3F96] =	sst s6  }
0xf: {  	[smem:$0x3F97] =	sst s7  }
0x10: {  	[smem:$0x3F98] =	sst s8  }
0x11: {  	[smem:$0x3F99] =	sst s9;
	s0 =	simm.s32 @!p0 $0x0  }
0x12: {  	s1 =	sld [smem:$0x3F7F];
	s0 =	simm.s32 @p0 $0x1  }
0x13: {  	[smem:$0x3F9A] =	sst s0;
	s0 =	simm.s32 @!p1 $0x0  }
0x14: {  	s2 =	sld [smem:$0x3F7E];
	s0 =	simm.s32 @p1 $0x1  }
0x15: {  	[smem:$0x3F9B] =	sst s0;
	s0 =	simm.s32 @!p2 $0x0  }
0x16: {  	s3 =	sld [smem:$0x3FDB];
	s0 =	simm.s32 @p2 $0x1  }
0x17: {  	s4 =	simm.s32 $0x1BF5;
	[smem:$0x3F9D] =	sst s0  }
0x18: {  	s0 =	sld [smem:$0x3F80];
	_ =	swait.ge [sflag:s4], $0x0  }
0x19: {  	s7 =	sld [smem:$0x3F81]  }
0x1a: {  	s8 =	sadd.s32 $0xFFFFE003, lr  }
0x1b: {  	s9 =	sadd.s32 $0xFFFFFEF7, lr;
	s5 =	simm.s32 $0xFFFFFFFF;
	p2 =	slt.u32 s8, $0xFFFFF086  }
0x1c: {  	p1 =	slt.u32 s9, $0xF7A;
	s5 =	simm.s32 @!p2 $0x0  }
0x1d: {  	s5 =	simm.s32 @p1 $0x1;
	p0 =	seq.s32 s7, s2  }
0x1e: {  	s7 =	smul.u32 @!p0 $0xF7A, s2;
	p2 =	seq.s32 @!p0 s5, $0x0  }
0x1f: {  	s9 =	smul.u32 $0xF7A, s1;
	s8 =	simm.s32 @!p0 $0x1BF5;
	p2 =	por !p2, p0  }
0x20: {  	[sflag:s8] =	ssyncset.s32 @!p0 $0xFFFFF086;
	s6 =	sadd.s32 @!p0 s3, s7;
	s7 =	simm.s32 @!p0 $0x108  }
0x21: {  	s3 =	sadd.s32 s3, s9;
	s6 =	sadd.s32 @!p0 $0x88, s6;
	s7 =	simm.s32 @p2 $0x1082  }
0x22: {  	[simem:s7], [sflag:s8] =	dma.local @!p0 [hbm:s6], $0xF7A  }
0x23: {  	s9 =	sor.u32 $0xD0000000, s2;
	s6 =	simm.s32 $0x108;
	_ =	swait.ge @!p0 [sflag:s8], $0x0  }
0x24: {  	s3 =	sadd.s32 $0x88, s3;
	s6 =	simm.s32 @!p1 $0x1082;
	[sflag:s4] =	ssyncset.s32 $0xFFFFF086  }
0x25: {  	[simem:s6], [sflag:s4] =	dma.local [hbm:s3], $0xF7A  }
0x26: {  	[smem:$0x3F81] =	sst s1;
	(tag) =	ssettag s2;
	_ =	strace s9  }
0x27: {  	s1 =	sld [smem:$0x3F91]  }
0x28: {  	s2 =	sld [smem:$0x3F92]  }
0x29: {  	s4 =	sld [smem:$0x3F94]  }
0x2a: {  	p0 =	seq.s32 s5, $0x0;
	s5 =	sld [smem:$0x3F95]  }
0x2b: {  	s6 =	sld [smem:$0x3F96]  }
0x2c: {  	s7 =	sld [smem:$0x3F97]  }
0x2d: {  	s3 =	simm.s32 $0x108;
	s8 =	sld [smem:$0x3F98]  }
0x2e: {  	s3 =	simm.s32 @!p0 $0x1082;
	s9 =	sld [smem:$0x3F99]  }
0x2f: {  	lr =	sadd.s32 s0, s3;
	s0 =	sld [smem:$0x3F90]  }
0x30: {  	s3 =	sld [smem:$0x3F93]  }
0x31: {  	[smem:$0x3F9C] =	sst s10  }
0x32: {  	s10 =	sld [smem:$0x3F9A];
	_ =	sdelay $0x3  }
0x33: {  	p0 =	seq.s32 s10, $0x1;
	s10 =	sld [smem:$0x3F9C];
	_ =	sdelay $0x3  }
0x34: {  	[smem:$0x3F9C] =	sst s10  }
0x35: {  	s10 =	sld [smem:$0x3F9B];
	_ =	sdelay $0x3  }
0x36: {  	p1 =	seq.s32 s10, $0x1;
	s10 =	sld [smem:$0x3F9C];
	_ =	sdelay $0x3  }
0x37: {  	[smem:$0x3F9C] =	sst s10  }
0x38: {  	s10 =	sld [smem:$0x3F9D]  }
0x39: {  	_ = 	snop;
	(pc) =	sbr.ind lr, $3  }
0x3a: {  	_ = 	snop  }
0x3b: {  	_ = 	snop  }
0x3c: {  	p2 =	seq.s32 s10, $0x1;
	s10 =	sld [smem:$0x3F9C]  }
0x3d: {  	_ =	shalt  }
0x3e: {  	_ =	shalt  }
0x3f: {  	_ =	shalt  }
0x40: {  	_ =	shalt  }
0x41: {  	_ =	shalt  }
0x42: {  	_ =	shalt  }
0x43: {  	_ =	shalt  }
0x44: {  	_ =	shalt  }
0x45: {  	_ =	shalt  }
0x46: {  	_ =	shalt  }
0x47: {  	_ =	shalt  }
0x48: {  	_ =	shalt  }
0x49: {  	_ =	shalt  }
0x4a: {  	_ =	shalt  }
0x4b: {  	_ =	shalt  }
0x4c: {  	_ =	shalt  }
0x4d: {  	_ =	shalt  }
0x4e: {  	_ =	shalt  }
0x4f: {  	_ =	shalt  }
0x50: {  	_ =	shalt  }
0x51: {  	_ =	shalt  }
0x52: {  	_ =	shalt  }
0x53: {  	_ =	shalt  }
0x54: {  	_ =	shalt  }
0x55: {  	_ =	shalt  }
0x56: {  	_ =	shalt  }
0x57: {  	_ =	shalt  }
0x58: {  	_ =	shalt  }
0x59: {  	_ =	shalt  }
0x5a: {  	_ =	shalt  }
0x5b: {  	_ =	shalt  }
0x5c: {  	_ =	shalt  }
0x5d: {  	_ =	shalt  }
0x5e: {  	_ =	shalt  }
0x5f: {  	_ =	shalt  }
0x60: {  	_ =	shalt  }
0x61: {  	_ =	shalt  }
0x62: {  	_ =	shalt  }
0x63: {  	_ =	shalt  }
0x64: {  	_ =	shalt  }
0x65: {  	_ =	shalt  }
0x66: {  	_ =	shalt  }
0x67: {  	_ =	shalt  }
0x68: {  	_ =	shalt  }
0x69: {  	_ =	shalt  }
0x6a: {  	_ =	shalt  }
0x6b: {  	_ =	shalt  }
0x6c: {  	_ =	shalt  }
0x6d: {  	_ =	shalt  }
0x6e: {  	_ =	shalt  }
0x6f: {  	_ =	shalt  }
0x70: {  	_ =	shalt  }
0x71: {  	_ =	shalt  }
0x72: {  	_ =	shalt  }
0x73: {  	_ =	shalt  }
0x74: {  	_ =	shalt  }
0x75: {  	_ =	shalt  }
0x76: {  	_ =	shalt  }
0x77: {  	_ =	shalt  }
0x78: {  	_ =	shalt  }
0x79: {  	_ =	shalt  }
0x7a: {  	_ =	shalt  }
0x7b: {  	_ =	shalt  }
0x7c: {  	_ =	shalt  }
0x7d: {  	_ =	shalt  }
0x7e: {  	_ =	shalt  }
0x7f: {  	_ =	shalt  }
0x80: {  	_ =	shalt  }
0x81: {  	_ =	shalt  }
0x82: {  	_ =	shalt  }
0x83: {  	_ =	shalt  }
0x84: {  	_ =	shalt  }
0x85: {  	_ =	shalt  }
0x86: {  	_ =	shalt  }
0x87: {  	_ =	shalt  }
.Lfunc_end0:
.L_simem_size_0:
called_computation.5_lowered:
.L_overlay_start_0:
0x88: {  	s2 =	sld [smem:$0x3FD9]  }
0x89: {  	s3 =	sld [smem:$0x3FFE];
	_ =	sdelay $0x1  }
0x8a: {  	s1 =	srdreg.scid  }
0x8b: {  	s0 =	sand.u32 $0x1, s1  }
0x8c: {  	s17 =	sshll.u32 s0, $0xA;
	s2 =	sadd.s32 s3, s2  }
0x8d: {  	s2 =	sadd.s32 s2, s17  }
0x8e: {  	[smem:$0x3FA8] =	sst s2  }
0x8f: {  	_ = 	snop  }
0x90: {  	s2 =	sld [smem:$0x3FD0];
	(tm) =	ssettm $0x1  }
0x91: {  	s18 =	sld [smem:$0x3FFB];
	_ =	sdelay $0x3  }
0x92: {  	_ =	strace s18  }
0x93: {  	s3 =	sld [smem:$0x3FFC];
	_ =	sdelay $0x3  }
0x94: {  	_ =	strace s3  }
0x95: {  	s3 =	sld [smem:$0x3FFD];
	_ =	sdelay $0x3  }
0x96: {  	_ =	strace s3  }
0x97: {  	_ =	strace $0x8FFFFFFF  }
0x98: {  	s19 =	sld [smem:$0x3FDB];
	_ =	sdelay $0x1  }
0x99: {  	s4 =	simm.s32 $_scs_section_size  }
0x9a: {  	s5 =	simm.s32 $_size__tile_overlayer_lowered;
	s6 =	simm.s32 $_tile_overlayer_lowered  }
0x9b: {  	s22 =	simm.s32 $0x1BFF;
	s21 =	sshll.u32 s6, $0x1;
	s3 =	sadd.s32 s4, s19  }
0x9c: {  	s7 =	simm.s32 $0x0;
	s20 =	sshll.u32 s5, $0x1;
	s5 =	sadd.s32 s21, s3  }
0x9d: {  	[timem:s7], [sflag:s22] =	dma.local [hbm:s5], s20  }
0x9e: {  	_ =	swait.ge [sflag:s22], s20  }
0x9f: {  	s4 =	ssub.s32 $0x0, s20;
	[sflag:s22] =	ssyncset.done $0x0  }
0xa0: {  	[sflag:s22] =	ssyncadd.s32 s4;
	_ =	sdelay $0x1  }
0xa1: {  	s23 =	simm.s32 $0x1B8B  }
0xa2: {  	_ =	swait.ge [sflag:s23], $0x1  }
0xa3: {  	[sflag:s23] =	ssyncset.done $0x0  }
0xa4: {  	s25 =	simm.s32 $0x1B8E;
	s24 =	sld [smem:$0x3FFE];
	[sflag:s23] =	ssyncadd.s32 $0xFFFFFFFF  }
0xa5: {  	s26 =	simm.s32 $execute0_lowered;
	[smem:$0x3FD2] =	sst s25  }
0xa6: {  	s5 =	sshll.u32 s26, $0x1;
	_ =	strace $0x80000058;
	[dreg:$0x1] =	wrdreg $0xFFFFFFFF  }
0xa7: {  	s28 =	simm.s32 $_size_execute0_lowered;
	s3 =	sadd.s32 s3, s5;
	[dreg:$0x0] =	wrdreg $0x0  }
0xa8: {  	s5 =	sshll.u32 s28, $0x1;
	[dreg:$0x2] =	wrdreg s3  }
0xa9: {  	[dreg:$0x3] =	wrdreg s5  }
0xaa: {  	[dreg:$0x4] =	wrdreg $0xC0  }
0xab: {  	_ =	task [dreg:s7], $0x5FFFF  }
0xac: {  	[dreg:$0x1] =	wrdreg $0xFFFFFFFF  }
0xad: {  	[dreg:$0x0] =	wrdreg $0x60  }
0xae: {  	[dreg:$0x2] =	wrdreg s2  }
0xaf: {  	[dreg:$0x3] =	wrdreg s24  }
0xb0: {  	[dreg:$0x4] =	wrdreg $0x9  }
0xb1: {  	_ =	task.clear_ibuf [dreg:s7], $0x5FFFF;
	_ =	strace $0x90000058  }
0xb2: {  	s29 =	simm.s32 $0x9;
	_ =	strace $0x8000005A  }
0xb3: {  	_ =	swait.ge [sflag:s29], $0x1  }
0xb4: {  	[sflag:s29] =	ssyncadd.s32 $0xFFFFFFFF  }
0xb5: {  	_ =	strace $0x9000005A  }
0xb6: {  	_ =	sfence  }
0xb7: {  	s30 =	sld [smem:$0x0];
	_ =	sdelay $0x2  }
0xb8: {  	s31 =	sshll.u32 s1, $0xD;
	s1 =	sshrl.u32 s1, $0x2  }
0xb9: {  	s3 =	sand.u32 $0x4000, s31;
	s1 =	sadd.s32 s1, s30  }
0xba: {  	s0 =	sor.u32 s3, s0;
	s1 =	sshll.u32 s1, $0x11  }
0xbb: {  	s0 =	sor.u32 s1, s0  }
0xbc: {  	s0 =	sadd.s32 $0x8F2B, s0  }
0xbd: {  	[sflag:s0] =	ssyncadd.remote.s32 $0x1  }
0xbe: {  	_ =	sfence.sel $0xFFFF  }
0xbf: {  	[dreg:$0x0] =	wrdreg $0xFFFFFFFF;
	(pc) =	sbr.abs _section_cstart, $3  }
0xc0: {  	[dreg:$0x1] =	wrdreg $0xFFFFFFFF  }
0xc1: {  	_ =	task.clear_ibuf [dreg:s7], $0x2FFFF;
	_ =	strace $0x9FFFFFFF  }
0xc2: {  	(tm) =	ssettm $0x7FFFFFFF  }
0xc3: {  	_ =	shalt  }
tec
execute0_lowered:
.L_overlay_start_1:
0x0: {  	(tag) =	ssettag $0x1  }
0x1: {  	s2 =	rddreg [dreg:$0x0]  }
0x2: {  	s7 =	rddreg [dreg:$0x1]  }
0x3: {  	s0 =	rddreg [dreg:$0x2]  }
0x4: {  	s1 =	srdreg.scid;
	_ =	strace $0x80000059;
	s4 =	simm.s32 $0x1  }
0x5: {  	s9 =	simm.s32 $0x3;
	s11 =	simm.s32 $0x0;
	s5 =	sshll.u32 s1, $0x4  }
.Ltmp0:
0x6: {  	s1 =	stileid.u32;
	s5 =	sand.u32 $0x10, s5;
	(pc) =	sbr.rel .LBB2_1-.Ltmp0, $4  }
0x7: {  	p0 =	por $0x0, $0x0;
	s3 =	sadd.s32 $0x80000, s7;
	s6 =	sor.u32 s1, s5  }
0x8: {  	[sflag:s4] =	ssyncpa.u1 $0x0;
	s5 =	simm.s32 $0x2;
	s6 =	sshll.u32 s6, $0x6  }
0x9: {  	s7 =	sadd.s32 $0x40000, s7;
	[sflag:s5] =	ssyncpa.u1 $0x0;
	s8 =	sadd.s32 $0x40, s6  }
0xa: {  	vm0 =	vmmov $0xff;
	vm1 =	vcmask $0x3F20;
	[sflag:s9] =	ssyncpa.u1 $0x0;
	s10 =	smov.u32 s6;
	s9 =	simm.s32 $0x0  }
.LBB2_9:
0xb: {  	p1 =	slt.u32 s9, $0x2;
	s11 =	sadd.s32 $0x20, s10  }
0xc: {  	s13 =	smov.u32 s6;
	s9 =	sadd.s32 $0x1, s9;
	p2 =	slt.s32 s11, s8  }
0xd: {  	s13 =	smov.u32 @p2 s11;
	p2 =	sne.s32 s9, $0x4  }
.Ltmp1:
0xe: {  	_ = 	snop;
	(pc) =	sbr.rel @!p2 .LBB2_10-.Ltmp1, $4  }
0xf: {  	s12 =	simm.s32 @!p1 $0x3  }
0x10: {  	_ =	swait.ge @!p1 [sflag:s12], $0x8000  }
0x11: {  	p0 =	por !p0, !p0;
	[sflag:s12] =	ssyncset.done @!p1 $0x0  }
0x12: {  	s11 =	smov.u32 s10;
	s10 =	smov.u32 s13;
	[sflag:s12] =	ssyncadd.s32 @!p1 $0xFFFF8000  }
.LBB2_1:
0x13: {  	p1 =	sgt.u32 s9, $0x1  }
0x14: {  	s12 =	sshll.u32 @!p1 s9, $0x5;
	s13 =	sshrl.u32 @!p1 s10, $0x3  }
0x15: {  	s14 =	sand.u32 @!p1 $0x7, s10;
	s12 =	sxor.u32 @!p1 $0x20, s12;
	s13 =	sadd.s32 @!p1 s3, s13  }
0x16: {  	[tilespmem:s12], [sflag:$0x2] =	stream.linear.gather @!p1 [hbm4b:s13+s14], $0x20, $0x38;
	[tilespmem:$0x10040] =	vst v63  }
0x17: {  	p1 =	seq.s32 s9, $0x0  }
0x18: {  	p2 =	seq.s32 @!p1 s9, $0x3  }
0x19: {  	p1 =	por p1, p2  }
.Ltmp2:
0x1a: {  	_ = 	snop;
	(pc) =	sbr.rel @p1 .LBB2_9-.Ltmp2, $1  }
0x1b: {  	_ =	sdelay $0x3  }
0x1c: {  	s12 =	simm.s32 $0x1  }
0x1d: {  	_ =	swait.ge [sflag:s5], $0x20;
	s13 =	sand.u32 $0x1, s9;
	s12 =	simm.s32 @!p0 $0x0  }
0x1e: {  	s15 =	simm.s32 $0x0;
	p2 =	por $0x1, $0x1;
	s12 =	sshll.u32 s12, $0x11  }
0x1f: {  	[sflag:s5] =	ssyncset.done $0x0;
	s13 =	sshll.u32 s13, $0x5;
	s14 =	sshrl.u32 s12, $0x2  }
0x20: {  	[sflag:s5] =	ssyncadd.s32 $0xFFFFFFE0;
	s12 =	sor.u32 $0x40, s14;
	s14 =	sadd.s32 $0x40, s14  }
.LBB2_3:
0x21: {  	s16 =	sshll.u32 s15, $0x4  }
0x22: {  	s16 =	sand.u32 $0x3FFFFFF0, s16  }
0x23: {  	s16 =	sadd.s32 s16, s13  }
0x24: {  	v0 =	vld.msk [tilespmem:s16+$0x0 ss:$0x1], $0xffff;
	_ =	sdelay $0x4  }
0x25: {  	v1 =	vshrl.u32 v0, $0xB  }
0x26: {  	vm2 =	veq.s32 v0, $0x80000000;
	v0 =	vshll.u32 v0, $0xD;
	v1 =	vand.u32 $0x7, v1  }
0x27: {  	v0 =	vand.u32 $0xFFE000, v0;
	v1 =	vsel vm2, $0xFFFFFFFF, v1  }
0x28: {  	v0 =	vsel vm2, $0xFFFFE000, v0;
	v2 =	vand.u32 $0xFFFFE000, v1;
	v1 =	vshll.u32 v1, $0x7  }
0x29: {  	v0 =	vadd.s32 v0, v2;
	v1 =	vand.u32 $0x380, v1  }
0x2a: {  	v0 =	vor.u32 v1, v0  }
0x2b: {  	v0 =	vshrl.u32 v0, $0x3  }
0x2c: {  	s31 =	sshll.u32 s15, $0x10  }
0x2d: {  	s15 =	sshra.s32 s31, $0x2  }
0x2e: {  	s15 =	sadd.s32 s15, s14  }
0x2f: {  	s17 =	sadd.s32 $0x0, s15  }
0x30: {  	[tilespmem:s17], [sflag:$0x1] =	stream.indirect_vreg.gather [hbm:s2], $0x80, v0, vm0, $0x38;
	[tilespmem:$0x10040] =	vst v63  }
0x31: {  	p1 =	por p2, p2;
	s16 =	simm.s32 $0x1000;
	v1 =	vadd.s32 $0x80, v0;
	s17 =	sadd.s32 $0x2000, s17  }
.LBB2_4:
0x32: {  	[tilespmem:s17], [sflag:$0x1] =	stream.indirect_vreg.gather [hbm:s2], $0x80, v0, vm1, $0x38;
	[tilespmem:$0x10040] =	vst v63  }
0x33: {  	v0 =	vmov v1;
	s17 =	smov.u32 s16;
	p2 =	sne.s32 s16, $0x7000  }
.Ltmp3:
0x34: {  	s16 =	sadd.s32 $0x1000, s16;
	(pc) =	sbr.rel @p2 .LBB2_4-.Ltmp3, $4  }
0x35: {  	s17 =	sshra.s32 s17, $0x2  }
0x36: {  	s17 =	sadd.s32 s17, s15  }
0x37: {  	[tilespmem:s17], [sflag:$0x1] =	stream.indirect_vreg.gather [hbm:s2], $0x80, v1, vm0, $0x38;
	[tilespmem:$0x10040] =	vst v63  }
0x38: {  	s17 =	sadd.s32 $0x2000, s17;
	v1 =	vadd.s32 $0x80, v1  }
0x39: {  	_ = 	snop  }
.Ltmp4:
0x3a: {  	_ = 	snop;
	(pc) =	sbr.rel @p1 .LBB2_3-.Ltmp4, $3  }
0x3b: {  	_ =	sdelay $0x1  }
0x3c: {  	[tilespmem:s17], [sflag:$0x1] =	stream.indirect_vreg.gather [hbm:s2], $0x80, v0, vm1, $0x38;
	[tilespmem:$0x10040] =	vst v63  }
0x3d: {  	s15 =	simm.s32 $0x1;
	p2 =	por $0x0, $0x0  }
0x3e: {  	s13 =	sshll.u32 s11, $0x7  }
0x3f: {  	s31 =	sshll.u32 s11, $0x4;
	s13 =	sand.u32 $0xFFFFFC00, s13  }
0x40: {  	_ =	swait.ge [sflag:s4], $0x8000;
	s11 =	sand.u32 $0x70, s31;
	s13 =	sadd.s32 s13, s7  }
0x41: {  	s14 =	sadd.s32 $0x2000, s12;
	[sflag:s4] =	ssyncset.done $0x0;
	s11 =	sadd.s32 s11, s13  }
0x42: {  	[sflag:s4] =	ssyncadd.s32 $0xFFFF8000;
	s13 =	simm.s32 $0x400;
	s15 =	sadd.s32 $0x0, s11  }
.LBB2_7:
0x43: {  	[hbm:s15] =	stream.linear.scatter [tilespmem:s12], [sflag:$0x3], $0x2000, $0x38;
	[tilespmem:$0x10040] =	vst v63  }
0x44: {  	s15 =	smov.u32 s13;
	s12 =	smov.u32 s14;
	p1 =	sne.s32 s13, $0xC00  }
.Ltmp5:
0x45: {  	s13 =	sadd.s32 $0x400, s13;
	(pc) =	sbr.rel @p1 .LBB2_7-.Ltmp5, $2  }
0x46: {  	_ =	sdelay $0x2  }
0x47: {  	s14 =	sadd.s32 $0x2000, s14;
	s15 =	sadd.s32 s15, s11  }
.Ltmp6:
0x48: {  	(pc) =	sbr.rel .LBB2_9-.Ltmp6, $2  }
0x49: {  	_ =	sdelay $0x2  }
0x4a: {  	[hbm:s15] =	stream.linear.scatter [tilespmem:s12], [sflag:$0x3], $0x2000, $0x38;
	[tilespmem:$0x10040] =	vst v63  }
.LBB2_10:
0x4b: {  	_ =	sfence.sel $0x180000  }
0x4c: {  	s2 =	simm.s32 $0x2;
	[bflag:$0x0] =	sbarrier.arrive $0xFFFF  }
0x4d: {  	s30 =	simm.s32 $0x3;
	[sflag:s2] =	ssyncpa.u1 $0x1  }
0x4e: {  	s31 =	simm.s32 $0x1;
	[sflag:s30] =	ssyncpa.u1 $0x1  }
0x4f: {  	[sflag:s31] =	ssyncpa.u1 $0x1  }
0x50: {  	p0 =	sne.s32 s1, $0x0;
	_ =	strace $0x90000059  }
0x51: {  	s0 =	sadd.s32 @!p0 $0x100000, s0;
	[bflag:$0x2] =	sbarrier.arrive $0xFFFF  }
0x52: {  	[sflag:s0] =	ssyncadd.tile.s32 @!p0 $0x1;
	_ =	shalt  }
.Lfunc_end2:
_tile_overlayer_lowered:
.L_overlay_start_2:
0x53: {  	(tag) =	ssettag $0x2  }
0x54: {  	s0 =	rddreg [dreg:$0x0];
	s2 =	stileid.u32  }
0x55: {  	s1 =	rddreg [dreg:$0x1];
	p0 =	sne.s32 s2, $0x0  }
0x56: {  	s3 =	rddreg [dreg:$0x2];
	[bflag:$0x3] =	sbarrier.arrive $0xFFFF;
	s2 =	simm.s32 @!p0 $0x1C01  }
0x57: {  	[timem:s3], [sflag:s2] =	dma.local @!p0 [hbm:s0], s1  }
0x58: {  	s0 =	simm.s32 @!p0 $0x1  }
0x59: {  	_ =	swait.ge @!p0 [sflag:s0], s1  }
0x5a: {  	s1 =	ssub.s32 @!p0 $0x0, s1;
	[sflag:s0] =	ssyncset.done @!p0 $0x0  }
0x5b: {  	[sflag:s0] =	ssyncadd.s32 @!p0 s1  }
0x5c: {  	[bflag:$0x3] =	sbarrier.arrive $0xFFFF  }
0x5d: {  	_ =	shalt  }

// kernel: gather_offload_async_start.4
scs
__scs_entry_jumppad:
0x0: {  	(pc) =	sbr.rel $0x88, $3  }
0x1: {  	(tag) =	ssettag $0x0;
	lr =	simm.s32 $0x1  }
0x2: {  	[smem:$0x3F81] =	sst lr;
	_ =	strace $0xD0000000  }
0x3: {  	_ = 	snop  }
0x4: {  	_ = 	snop  }
0x5: {  	_ = 	snop  }
0x6: {  	_ = 	snop  }
0x7: {  	_ = 	snop  }
__scs_overlays_trampoline_lowered:
0x8: {  	[smem:$0x3F90] =	sst s0  }
0x9: {  	[smem:$0x3F91] =	sst s1  }
0xa: {  	[smem:$0x3F92] =	sst s2  }
0xb: {  	[smem:$0x3F93] =	sst s3  }
0xc: {  	[smem:$0x3F94] =	sst s4  }
0xd: {  	[smem:$0x3F95] =	sst s5  }
0xe: {  	[smem:$0x3F96] =	sst s6  }
0xf: {  	[smem:$0x3F97] =	sst s7  }
0x10: {  	[smem:$0x3F98] =	sst s8  }
0x11: {  	[smem:$0x3F99] =	sst s9;
	s0 =	simm.s32 @!p0 $0x0  }
0x12: {  	s1 =	sld [smem:$0x3F7F];
	s0 =	simm.s32 @p0 $0x1  }
0x13: {  	[smem:$0x3F9A] =	sst s0;
	s0 =	simm.s32 @!p1 $0x0  }
0x14: {  	s2 =	sld [smem:$0x3F7E];
	s0 =	simm.s32 @p1 $0x1  }
0x15: {  	[smem:$0x3F9B] =	sst s0;
	s0 =	simm.s32 @!p2 $0x0  }
0x16: {  	s3 =	sld [smem:$0x3FDB];
	s0 =	simm.s32 @p2 $0x1  }
0x17: {  	s4 =	simm.s32 $0x1BF5;
	[smem:$0x3F9D] =	sst s0  }
0x18: {  	s0 =	sld [smem:$0x3F80];
	_ =	swait.ge [sflag:s4], $0x0  }
0x19: {  	s7 =	sld [smem:$0x3F81]  }
0x1a: {  	s8 =	sadd.s32 $0xFFFFE003, lr  }
0x1b: {  	s9 =	sadd.s32 $0xFFFFFEF7, lr;
	s5 =	simm.s32 $0xFFFFFFFF;
	p2 =	slt.u32 s8, $0xFFFFF086  }
0x1c: {  	p1 =	slt.u32 s9, $0xF7A;
	s5 =	simm.s32 @!p2 $0x0  }
0x1d: {  	s5 =	simm.s32 @p1 $0x1;
	p0 =	seq.s32 s7, s2  }
0x1e: {  	s7 =	smul.u32 @!p0 $0xF7A, s2;
	p2 =	seq.s32 @!p0 s5, $0x0  }
0x1f: {  	s9 =	smul.u32 $0xF7A, s1;
	s8 =	simm.s32 @!p0 $0x1BF5;
	p2 =	por !p2, p0  }
0x20: {  	[sflag:s8] =	ssyncset.s32 @!p0 $0xFFFFF086;
	s6 =	sadd.s32 @!p0 s3, s7;
	s7 =	simm.s32 @!p0 $0x108  }
0x21: {  	s3 =	sadd.s32 s3, s9;
	s6 =	sadd.s32 @!p0 $0x88, s6;
	s7 =	simm.s32 @p2 $0x1082  }
0x22: {  	[simem:s7], [sflag:s8] =	dma.local @!p0 [hbm:s6], $0xF7A  }
0x23: {  	s9 =	sor.u32 $0xD0000000, s2;
	s6 =	simm.s32 $0x108;
	_ =	swait.ge @!p0 [sflag:s8], $0x0  }
0x24: {  	s3 =	sadd.s32 $0x88, s3;
	s6 =	simm.s32 @!p1 $0x1082;
	[sflag:s4] =	ssyncset.s32 $0xFFFFF086  }
0x25: {  	[simem:s6], [sflag:s4] =	dma.local [hbm:s3], $0xF7A  }
0x26: {  	[smem:$0x3F81] =	sst s1;
	(tag) =	ssettag s2;
	_ =	strace s9  }
0x27: {  	s1 =	sld [smem:$0x3F91]  }
0x28: {  	s2 =	sld [smem:$0x3F92]  }
0x29: {  	s4 =	sld [smem:$0x3F94]  }
0x2a: {  	p0 =	seq.s32 s5, $0x0;
	s5 =	sld [smem:$0x3F95]  }
0x2b: {  	s6 =	sld [smem:$0x3F96]  }
0x2c: {  	s7 =	sld [smem:$0x3F97]  }
0x2d: {  	s3 =	simm.s32 $0x108;
	s8 =	sld [smem:$0x3F98]  }
0x2e: {  	s3 =	simm.s32 @!p0 $0x1082;
	s9 =	sld [smem:$0x3F99]  }
0x2f: {  	lr =	sadd.s32 s0, s3;
	s0 =	sld [smem:$0x3F90]  }
0x30: {  	s3 =	sld [smem:$0x3F93]  }
0x31: {  	[smem:$0x3F9C] =	sst s10  }
0x32: {  	s10 =	sld [smem:$0x3F9A];
	_ =	sdelay $0x3  }
0x33: {  	p0 =	seq.s32 s10, $0x1;
	s10 =	sld [smem:$0x3F9C];
	_ =	sdelay $0x3  }
0x34: {  	[smem:$0x3F9C] =	sst s10  }
0x35: {  	s10 =	sld [smem:$0x3F9B];
	_ =	sdelay $0x3  }
0x36: {  	p1 =	seq.s32 s10, $0x1;
	s10 =	sld [smem:$0x3F9C];
	_ =	sdelay $0x3  }
0x37: {  	[smem:$0x3F9C] =	sst s10  }
0x38: {  	s10 =	sld [smem:$0x3F9D]  }
0x39: {  	_ = 	snop;
	(pc) =	sbr.ind lr, $3  }
0x3a: {  	_ = 	snop  }
0x3b: {  	_ = 	snop  }
0x3c: {  	p2 =	seq.s32 s10, $0x1;
	s10 =	sld [smem:$0x3F9C]  }
0x3d: {  	_ =	shalt  }
0x3e: {  	_ =	shalt  }
0x3f: {  	_ =	shalt  }
0x40: {  	_ =	shalt  }
0x41: {  	_ =	shalt  }
0x42: {  	_ =	shalt  }
0x43: {  	_ =	shalt  }
0x44: {  	_ =	shalt  }
0x45: {  	_ =	shalt  }
0x46: {  	_ =	shalt  }
0x47: {  	_ =	shalt  }
0x48: {  	_ =	shalt  }
0x49: {  	_ =	shalt  }
0x4a: {  	_ =	shalt  }
0x4b: {  	_ =	shalt  }
0x4c: {  	_ =	shalt  }
0x4d: {  	_ =	shalt  }
0x4e: {  	_ =	shalt  }
0x4f: {  	_ =	shalt  }
0x50: {  	_ =	shalt  }
0x51: {  	_ =	shalt  }
0x52: {  	_ =	shalt  }
0x53: {  	_ =	shalt  }
0x54: {  	_ =	shalt  }
0x55: {  	_ =	shalt  }
0x56: {  	_ =	shalt  }
0x57: {  	_ =	shalt  }
0x58: {  	_ =	shalt  }
0x59: {  	_ =	shalt  }
0x5a: {  	_ =	shalt  }
0x5b: {  	_ =	shalt  }
0x5c: {  	_ =	shalt  }
0x5d: {  	_ =	shalt  }
0x5e: {  	_ =	shalt  }
0x5f: {  	_ =	shalt  }
0x60: {  	_ =	shalt  }
0x61: {  	_ =	shalt  }
0x62: {  	_ =	shalt  }
0x63: {  	_ =	shalt  }
0x64: {  	_ =	shalt  }
0x65: {  	_ =	shalt  }
0x66: {  	_ =	shalt  }
0x67: {  	_ =	shalt  }
0x68: {  	_ =	shalt  }
0x69: {  	_ =	shalt  }
0x6a: {  	_ =	shalt  }
0x6b: {  	_ =	shalt  }
0x6c: {  	_ =	shalt  }
0x6d: {  	_ =	shalt  }
0x6e: {  	_ =	shalt  }
0x6f: {  	_ =	shalt  }
0x70: {  	_ =	shalt  }
0x71: {  	_ =	shalt  }
0x72: {  	_ =	shalt  }
0x73: {  	_ =	shalt  }
0x74: {  	_ =	shalt  }
0x75: {  	_ =	shalt  }
0x76: {  	_ =	shalt  }
0x77: {  	_ =	shalt  }
0x78: {  	_ =	shalt  }
0x79: {  	_ =	shalt  }
0x7a: {  	_ =	shalt  }
0x7b: {  	_ =	shalt  }
0x7c: {  	_ =	shalt  }
0x7d: {  	_ =	shalt  }
0x7e: {  	_ =	shalt  }
0x7f: {  	_ =	shalt  }
0x80: {  	_ =	shalt  }
0x81: {  	_ =	shalt  }
0x82: {  	_ =	shalt  }
0x83: {  	_ =	shalt  }
0x84: {  	_ =	shalt  }
0x85: {  	_ =	shalt  }
0x86: {  	_ =	shalt  }
0x87: {  	_ =	shalt  }
.Lfunc_end0:
.L_simem_size_0:
called_computation.6_lowered:
.L_overlay_start_0:
0x88: {  	s2 =	sld [smem:$0x3FD9]  }
0x89: {  	s3 =	sld [smem:$0x3FFE];
	_ =	sdelay $0x1  }
0x8a: {  	s1 =	srdreg.scid  }
0x8b: {  	s0 =	sand.u32 $0x1, s1  }
0x8c: {  	s17 =	sshll.u32 s0, $0xA;
	s2 =	sadd.s32 s3, s2  }
0x8d: {  	s2 =	sadd.s32 s2, s17  }
0x8e: {  	[smem:$0x3FA8] =	sst s2  }
0x8f: {  	_ = 	snop  }
0x90: {  	s2 =	sld [smem:$0x3FD0];
	(tm) =	ssettm $0x1  }
0x91: {  	s18 =	sld [smem:$0x3FFB];
	_ =	sdelay $0x3  }
0x92: {  	_ =	strace s18  }
0x93: {  	s3 =	sld [smem:$0x3FFC];
	_ =	sdelay $0x3  }
0x94: {  	_ =	strace s3  }
0x95: {  	s3 =	sld [smem:$0x3FFD];
	_ =	sdelay $0x3  }
0x96: {  	_ =	strace s3  }
0x97: {  	_ =	strace $0x8FFFFFFF  }
0x98: {  	s19 =	sld [smem:$0x3FDB];
	_ =	sdelay $0x1  }
0x99: {  	s4 =	simm.s32 $_scs_section_size  }
0x9a: {  	s5 =	simm.s32 $_size__tile_overlayer_lowered;
	s6 =	simm.s32 $_tile_overlayer_lowered  }
0x9b: {  	s22 =	simm.s32 $0x1BFF;
	s21 =	sshll.u32 s6, $0x1;
	s3 =	sadd.s32 s4, s19  }
0x9c: {  	s7 =	simm.s32 $0x0;
	s20 =	sshll.u32 s5, $0x1;
	s5 =	sadd.s32 s21, s3  }
0x9d: {  	[timem:s7], [sflag:s22] =	dma.local [hbm:s5], s20  }
0x9e: {  	_ =	swait.ge [sflag:s22], s20  }
0x9f: {  	s4 =	ssub.s32 $0x0, s20;
	[sflag:s22] =	ssyncset.done $0x0  }
0xa0: {  	[sflag:s22] =	ssyncadd.s32 s4;
	_ =	sdelay $0x1  }
0xa1: {  	s23 =	simm.s32 $0x1B8B  }
0xa2: {  	_ =	swait.ge [sflag:s23], $0x1  }
0xa3: {  	[sflag:s23] =	ssyncset.done $0x0  }
0xa4: {  	s25 =	simm.s32 $0x1B8E;
	s24 =	sld [smem:$0x3FFE];
	[sflag:s23] =	ssyncadd.s32 $0xFFFFFFFF  }
0xa5: {  	s26 =	simm.s32 $execute0_lowered;
	[smem:$0x3FD2] =	sst s25  }
0xa6: {  	s5 =	sshll.u32 s26, $0x1;
	_ =	strace $0x80000055;
	[dreg:$0x1] =	wrdreg $0xFFFFFFFF  }
0xa7: {  	s28 =	simm.s32 $_size_execute0_lowered;
	s3 =	sadd.s32 s3, s5;
	[dreg:$0x0] =	wrdreg $0x0  }
0xa8: {  	s5 =	sshll.u32 s28, $0x1;
	[dreg:$0x2] =	wrdreg s3  }
0xa9: {  	[dreg:$0x3] =	wrdreg s5  }
0xaa: {  	[dreg:$0x4] =	wrdreg $0xC0  }
0xab: {  	_ =	task [dreg:s7], $0x5FFFF  }
0xac: {  	[dreg:$0x1] =	wrdreg $0xFFFFFFFF  }
0xad: {  	[dreg:$0x0] =	wrdreg $0x60  }
0xae: {  	[dreg:$0x2] =	wrdreg s2  }
0xaf: {  	[dreg:$0x3] =	wrdreg s24  }
0xb0: {  	[dreg:$0x4] =	wrdreg $0x9  }
0xb1: {  	_ =	task.clear_ibuf [dreg:s7], $0x5FFFF;
	_ =	strace $0x90000055  }
0xb2: {  	s29 =	simm.s32 $0x9;
	_ =	strace $0x80000057  }
0xb3: {  	_ =	swait.ge [sflag:s29], $0x1  }
0xb4: {  	[sflag:s29] =	ssyncadd.s32 $0xFFFFFFFF  }
0xb5: {  	_ =	strace $0x90000057  }
0xb6: {  	_ =	sfence  }
0xb7: {  	s30 =	sld [smem:$0x0];
	_ =	sdelay $0x2  }
0xb8: {  	s31 =	sshll.u32 s1, $0xD;
	s1 =	sshrl.u32 s1, $0x2  }
0xb9: {  	s3 =	sand.u32 $0x4000, s31;
	s1 =	sadd.s32 s1, s30  }
0xba: {  	s0 =	sor.u32 s3, s0;
	s1 =	sshll.u32 s1, $0x11  }
0xbb: {  	s0 =	sor.u32 s1, s0  }
0xbc: {  	s0 =	sadd.s32 $0x8F2B, s0  }
0xbd: {  	[sflag:s0] =	ssyncadd.remote.s32 $0x1  }
0xbe: {  	_ =	sfence.sel $0xFFFF  }
0xbf: {  	[dreg:$0x0] =	wrdreg $0xFFFFFFFF;
	(pc) =	sbr.abs _section_cstart, $3  }
0xc0: {  	[dreg:$0x1] =	wrdreg $0xFFFFFFFF  }
0xc1: {  	_ =	task.clear_ibuf [dreg:s7], $0x2FFFF;
	_ =	strace $0x9FFFFFFF  }
0xc2: {  	(tm) =	ssettm $0x7FFFFFFF  }
0xc3: {  	_ =	shalt  }
tec
execute0_lowered:
.L_overlay_start_1:
0x0: {  	(tag) =	ssettag $0x1  }
0x1: {  	s2 =	rddreg [dreg:$0x0]  }
0x2: {  	s7 =	rddreg [dreg:$0x1]  }
0x3: {  	s0 =	rddreg [dreg:$0x2]  }
0x4: {  	s1 =	srdreg.scid;
	_ =	strace $0x80000056;
	s4 =	simm.s32 $0x1  }
0x5: {  	s9 =	simm.s32 $0x3;
	s11 =	simm.s32 $0x0;
	s5 =	sshll.u32 s1, $0x4  }
.Ltmp0:
0x6: {  	s1 =	stileid.u32;
	s5 =	sand.u32 $0x10, s5;
	(pc) =	sbr.rel .LBB2_1-.Ltmp0, $4  }
0x7: {  	p0 =	por $0x0, $0x0;
	s3 =	sadd.s32 $0x240600, s7;
	s6 =	sor.u32 s1, s5  }
0x8: {  	[sflag:s4] =	ssyncpa.u1 $0x0;
	s5 =	simm.s32 $0x2;
	s6 =	sshll.u32 s6, $0x6  }
0x9: {  	s7 =	sadd.s32 $0x40000, s7;
	[sflag:s5] =	ssyncpa.u1 $0x0;
	s8 =	sadd.s32 $0x40, s6  }
0xa: {  	vm0 =	vmmov $0xff;
	vm1 =	vcmask $0x3F20;
	[sflag:s9] =	ssyncpa.u1 $0x0;
	s10 =	smov.u32 s6;
	s9 =	simm.s32 $0x0  }
.LBB2_9:
0xb: {  	p1 =	slt.u32 s9, $0x2;
	s11 =	sadd.s32 $0x20, s10  }
0xc: {  	s13 =	smov.u32 s6;
	s9 =	sadd.s32 $0x1, s9;
	p2 =	slt.s32 s11, s8  }
0xd: {  	s13 =	smov.u32 @p2 s11;
	p2 =	sne.s32 s9, $0x4  }
.Ltmp1:
0xe: {  	_ = 	snop;
	(pc) =	sbr.rel @!p2 .LBB2_10-.Ltmp1, $4  }
0xf: {  	s12 =	simm.s32 @!p1 $0x3  }
0x10: {  	_ =	swait.ge @!p1 [sflag:s12], $0x8000  }
0x11: {  	p0 =	por !p0, !p0;
	[sflag:s12] =	ssyncset.done @!p1 $0x0  }
0x12: {  	s11 =	smov.u32 s10;
	s10 =	smov.u32 s13;
	[sflag:s12] =	ssyncadd.s32 @!p1 $0xFFFF8000  }
.LBB2_1:
0x13: {  	p1 =	sgt.u32 s9, $0x1  }
0x14: {  	s12 =	sshll.u32 @!p1 s9, $0x5;
	s13 =	sshrl.u32 @!p1 s10, $0x3  }
0x15: {  	s14 =	sand.u32 @!p1 $0x7, s10;
	s12 =	sxor.u32 @!p1 $0x20, s12;
	s13 =	sadd.s32 @!p1 s3, s13  }
0x16: {  	[tilespmem:s12], [sflag:$0x2] =	stream.linear.gather @!p1 [hbm4b:s13+s14], $0x20, $0x38;
	[tilespmem:$0x10040] =	vst v63  }
0x17: {  	p1 =	seq.s32 s9, $0x0  }
0x18: {  	p2 =	seq.s32 @!p1 s9, $0x3  }
0x19: {  	p1 =	por p1, p2  }
.Ltmp2:
0x1a: {  	_ = 	snop;
	(pc) =	sbr.rel @p1 .LBB2_9-.Ltmp2, $1  }
0x1b: {  	_ =	sdelay $0x3  }
0x1c: {  	s12 =	simm.s32 $0x1  }
0x1d: {  	_ =	swait.ge [sflag:s5], $0x20;
	s13 =	sand.u32 $0x1, s9;
	s12 =	simm.s32 @!p0 $0x0  }
0x1e: {  	s15 =	simm.s32 $0x0;
	p2 =	por $0x1, $0x1;
	s12 =	sshll.u32 s12, $0x11  }
0x1f: {  	[sflag:s5] =	ssyncset.done $0x0;
	s13 =	sshll.u32 s13, $0x5;
	s14 =	sshrl.u32 s12, $0x2  }
0x20: {  	[sflag:s5] =	ssyncadd.s32 $0xFFFFFFE0;
	s12 =	sor.u32 $0x40, s14;
	s14 =	sadd.s32 $0x40, s14  }
.LBB2_3:
0x21: {  	s16 =	sshll.u32 s15, $0x4  }
0x22: {  	s16 =	sand.u32 $0x3FFFFFF0, s16  }
0x23: {  	s16 =	sadd.s32 s16, s13  }
0x24: {  	v0 =	vld.msk [tilespmem:s16+$0x0 ss:$0x1], $0xffff;
	_ =	sdelay $0x4  }
0x25: {  	v1 =	vshrl.u32 v0, $0xB  }
0x26: {  	vm2 =	veq.s32 v0, $0x80000000;
	v0 =	vshll.u32 v0, $0xD;
	v1 =	vand.u32 $0x7, v1  }
0x27: {  	v0 =	vand.u32 $0xFFE000, v0;
	v1 =	vsel vm2, $0xFFFFFFFF, v1  }
0x28: {  	v0 =	vsel vm2, $0xFFFFE000, v0;
	v2 =	vand.u32 $0xFFFFE000, v1;
	v1 =	vshll.u32 v1, $0x7  }
0x29: {  	v0 =	vadd.s32 v0, v2;
	v1 =	vand.u32 $0x380, v1  }
0x2a: {  	v0 =	vor.u32 v1, v0  }
0x2b: {  	v0 =	vshrl.u32 v0, $0x3  }
0x2c: {  	s31 =	sshll.u32 s15, $0x10  }
0x2d: {  	s15 =	sshra.s32 s31, $0x2  }
0x2e: {  	s15 =	sadd.s32 s15, s14  }
0x2f: {  	s17 =	sadd.s32 $0x0, s15  }
0x30: {  	[tilespmem:s17], [sflag:$0x1] =	stream.indirect_vreg.gather [hbm:s2], $0x80, v0, vm0, $0x38;
	[tilespmem:$0x10040] =	vst v63  }
0x31: {  	p1 =	por p2, p2;
	s16 =	simm.s32 $0x1000;
	v1 =	vadd.s32 $0x80, v0;
	s17 =	sadd.s32 $0x2000, s17  }
.LBB2_4:
0x32: {  	[tilespmem:s17], [sflag:$0x1] =	stream.indirect_vreg.gather [hbm:s2], $0x80, v0, vm1, $0x38;
	[tilespmem:$0x10040] =	vst v63  }
0x33: {  	v0 =	vmov v1;
	s17 =	smov.u32 s16;
	p2 =	sne.s32 s16, $0x7000  }
.Ltmp3:
0x34: {  	s16 =	sadd.s32 $0x1000, s16;
	(pc) =	sbr.rel @p2 .LBB2_4-.Ltmp3, $4  }
0x35: {  	s17 =	sshra.s32 s17, $0x2  }
0x36: {  	s17 =	sadd.s32 s17, s15  }
0x37: {  	[tilespmem:s17], [sflag:$0x1] =	stream.indirect_vreg.gather [hbm:s2], $0x80, v1, vm0, $0x38;
	[tilespmem:$0x10040] =	vst v63  }
0x38: {  	s17 =	sadd.s32 $0x2000, s17;
	v1 =	vadd.s32 $0x80, v1  }
0x39: {  	_ = 	snop  }
.Ltmp4:
0x3a: {  	_ = 	snop;
	(pc) =	sbr.rel @p1 .LBB2_3-.Ltmp4, $3  }
0x3b: {  	_ =	sdelay $0x1  }
0x3c: {  	[tilespmem:s17], [sflag:$0x1] =	stream.indirect_vreg.gather [hbm:s2], $0x80, v0, vm1, $0x38;
	[tilespmem:$0x10040] =	vst v63  }
0x3d: {  	s15 =	simm.s32 $0x1;
	p2 =	por $0x0, $0x0  }
0x3e: {  	s13 =	sshll.u32 s11, $0x7  }
0x3f: {  	s31 =	sshll.u32 s11, $0x4;
	s13 =	sand.u32 $0xFFFFFC00, s13  }
0x40: {  	_ =	swait.ge [sflag:s4], $0x8000;
	s11 =	sand.u32 $0x70, s31;
	s13 =	sadd.s32 s13, s7  }
0x41: {  	s14 =	sadd.s32 $0x2000, s12;
	[sflag:s4] =	ssyncset.done $0x0;
	s11 =	sadd.s32 s11, s13  }
0x42: {  	[sflag:s4] =	ssyncadd.s32 $0xFFFF8000;
	s13 =	simm.s32 $0x400;
	s15 =	sadd.s32 $0x0, s11  }
.LBB2_7:
0x43: {  	[hbm:s15] =	stream.linear.scatter [tilespmem:s12], [sflag:$0x3], $0x2000, $0x38;
	[tilespmem:$0x10040] =	vst v63  }
0x44: {  	s15 =	smov.u32 s13;
	s12 =	smov.u32 s14;
	p1 =	sne.s32 s13, $0xC00  }
.Ltmp5:
0x45: {  	s13 =	sadd.s32 $0x400, s13;
	(pc) =	sbr.rel @p1 .LBB2_7-.Ltmp5, $2  }
0x46: {  	_ =	sdelay $0x2  }
0x47: {  	s14 =	sadd.s32 $0x2000, s14;
	s15 =	sadd.s32 s15, s11  }
.Ltmp6:
0x48: {  	(pc) =	sbr.rel .LBB2_9-.Ltmp6, $2  }
0x49: {  	_ =	sdelay $0x2  }
0x4a: {  	[hbm:s15] =	stream.linear.scatter [tilespmem:s12], [sflag:$0x3], $0x2000, $0x38;
	[tilespmem:$0x10040] =	vst v63  }
.LBB2_10:
0x4b: {  	_ =	sfence.sel $0x180000  }
0x4c: {  	s2 =	simm.s32 $0x2;
	[bflag:$0x0] =	sbarrier.arrive $0xFFFF  }
0x4d: {  	s30 =	simm.s32 $0x3;
	[sflag:s2] =	ssyncpa.u1 $0x1  }
0x4e: {  	s31 =	simm.s32 $0x1;
	[sflag:s30] =	ssyncpa.u1 $0x1  }
0x4f: {  	[sflag:s31] =	ssyncpa.u1 $0x1  }
0x50: {  	p0 =	sne.s32 s1, $0x0;
	_ =	strace $0x90000056  }
0x51: {  	s0 =	sadd.s32 @!p0 $0x100000, s0;
	[bflag:$0x2] =	sbarrier.arrive $0xFFFF  }
0x52: {  	[sflag:s0] =	ssyncadd.tile.s32 @!p0 $0x1;
	_ =	shalt  }
.Lfunc_end2:
_tile_overlayer_lowered:
.L_overlay_start_2:
0x53: {  	(tag) =	ssettag $0x2  }
0x54: {  	s0 =	rddreg [dreg:$0x0];
	s2 =	stileid.u32  }
0x55: {  	s1 =	rddreg [dreg:$0x1];
	p0 =	sne.s32 s2, $0x0  }
0x56: {  	s3 =	rddreg [dreg:$0x2];
	[bflag:$0x3] =	sbarrier.arrive $0xFFFF;
	s2 =	simm.s32 @!p0 $0x1C01  }
0x57: {  	[timem:s3], [sflag:s2] =	dma.local @!p0 [hbm:s0], s1  }
0x58: {  	s0 =	simm.s32 @!p0 $0x1  }
0x59: {  	_ =	swait.ge @!p0 [sflag:s0], s1  }
0x5a: {  	s1 =	ssub.s32 @!p0 $0x0, s1;
	[sflag:s0] =	ssyncset.done @!p0 $0x0  }
0x5b: {  	[sflag:s0] =	ssyncadd.s32 @!p0 s1  }
0x5c: {  	[bflag:$0x3] =	sbarrier.arrive $0xFFFF  }
0x5d: {  	_ =	shalt  }

// kernel: gather_offload_async_start
scs
__scs_entry_jumppad:
0x0: {  	(pc) =	sbr.rel $0x88, $3  }
0x1: {  	(tag) =	ssettag $0x0;
	lr =	simm.s32 $0x1  }
0x2: {  	[smem:$0x3F81] =	sst lr;
	_ =	strace $0xD0000000  }
0x3: {  	_ = 	snop  }
0x4: {  	_ = 	snop  }
0x5: {  	_ = 	snop  }
0x6: {  	_ = 	snop  }
0x7: {  	_ = 	snop  }
__scs_overlays_trampoline_lowered:
0x8: {  	[smem:$0x3F90] =	sst s0  }
0x9: {  	[smem:$0x3F91] =	sst s1  }
0xa: {  	[smem:$0x3F92] =	sst s2  }
0xb: {  	[smem:$0x3F93] =	sst s3  }
0xc: {  	[smem:$0x3F94] =	sst s4  }
0xd: {  	[smem:$0x3F95] =	sst s5  }
0xe: {  	[smem:$0x3F96] =	sst s6  }
0xf: {  	[smem:$0x3F97] =	sst s7  }
0x10: {  	[smem:$0x3F98] =	sst s8  }
0x11: {  	[smem:$0x3F99] =	sst s9;
	s0 =	simm.s32 @!p0 $0x0  }
0x12: {  	s1 =	sld [smem:$0x3F7F];
	s0 =	simm.s32 @p0 $0x1  }
0x13: {  	[smem:$0x3F9A] =	sst s0;
	s0 =	simm.s32 @!p1 $0x0  }
0x14: {  	s2 =	sld [smem:$0x3F7E];
	s0 =	simm.s32 @p1 $0x1  }
0x15: {  	[smem:$0x3F9B] =	sst s0;
	s0 =	simm.s32 @!p2 $0x0  }
0x16: {  	s3 =	sld [smem:$0x3FDB];
	s0 =	simm.s32 @p2 $0x1  }
0x17: {  	s4 =	simm.s32 $0x1BF5;
	[smem:$0x3F9D] =	sst s0  }
0x18: {  	s0 =	sld [smem:$0x3F80];
	_ =	swait.ge [sflag:s4], $0x0  }
0x19: {  	s7 =	sld [smem:$0x3F81]  }
0x1a: {  	s8 =	sadd.s32 $0xFFFFE003, lr  }
0x1b: {  	s9 =	sadd.s32 $0xFFFFFEF7, lr;
	s5 =	simm.s32 $0xFFFFFFFF;
	p2 =	slt.u32 s8, $0xFFFFF086  }
0x1c: {  	p1 =	slt.u32 s9, $0xF7A;
	s5 =	simm.s32 @!p2 $0x0  }
0x1d: {  	s5 =	simm.s32 @p1 $0x1;
	p0 =	seq.s32 s7, s2  }
0x1e: {  	s7 =	smul.u32 @!p0 $0xF7A, s2;
	p2 =	seq.s32 @!p0 s5, $0x0  }
0x1f: {  	s9 =	smul.u32 $0xF7A, s1;
	s8 =	simm.s32 @!p0 $0x1BF5;
	p2 =	por !p2, p0  }
0x20: {  	[sflag:s8] =	ssyncset.s32 @!p0 $0xFFFFF086;
	s6 =	sadd.s32 @!p0 s3, s7;
	s7 =	simm.s32 @!p0 $0x108  }
0x21: {  	s3 =	sadd.s32 s3, s9;
	s6 =	sadd.s32 @!p0 $0x88, s6;
	s7 =	simm.s32 @p2 $0x1082  }
0x22: {  	[simem:s7], [sflag:s8] =	dma.local @!p0 [hbm:s6], $0xF7A  }
0x23: {  	s9 =	sor.u32 $0xD0000000, s2;
	s6 =	simm.s32 $0x108;
	_ =	swait.ge @!p0 [sflag:s8], $0x0  }
0x24: {  	s3 =	sadd.s32 $0x88, s3;
	s6 =	simm.s32 @!p1 $0x1082;
	[sflag:s4] =	ssyncset.s32 $0xFFFFF086  }
0x25: {  	[simem:s6], [sflag:s4] =	dma.local [hbm:s3], $0xF7A  }
0x26: {  	[smem:$0x3F81] =	sst s1;
	(tag) =	ssettag s2;
	_ =	strace s9  }
0x27: {  	s1 =	sld [smem:$0x3F91]  }
0x28: {  	s2 =	sld [smem:$0x3F92]  }
0x29: {  	s4 =	sld [smem:$0x3F94]  }
0x2a: {  	p0 =	seq.s32 s5, $0x0;
	s5 =	sld [smem:$0x3F95]  }
0x2b: {  	s6 =	sld [smem:$0x3F96]  }
0x2c: {  	s7 =	sld [smem:$0x3F97]  }
0x2d: {  	s3 =	simm.s32 $0x108;
	s8 =	sld [smem:$0x3F98]  }
0x2e: {  	s3 =	simm.s32 @!p0 $0x1082;
	s9 =	sld [smem:$0x3F99]  }
0x2f: {  	lr =	sadd.s32 s0, s3;
	s0 =	sld [smem:$0x3F90]  }
0x30: {  	s3 =	sld [smem:$0x3F93]  }
0x31: {  	[smem:$0x3F9C] =	sst s10  }
0x32: {  	s10 =	sld [smem:$0x3F9A];
	_ =	sdelay $0x3  }
0x33: {  	p0 =	seq.s32 s10, $0x1;
	s10 =	sld [smem:$0x3F9C];
	_ =	sdelay $0x3  }
0x34: {  	[smem:$0x3F9C] =	sst s10  }
0x35: {  	s10 =	sld [smem:$0x3F9B];
	_ =	sdelay $0x3  }
0x36: {  	p1 =	seq.s32 s10, $0x1;
	s10 =	sld [smem:$0x3F9C];
	_ =	sdelay $0x3  }
0x37: {  	[smem:$0x3F9C] =	sst s10  }
0x38: {  	s10 =	sld [smem:$0x3F9D]  }
0x39: {  	_ = 	snop;
	(pc) =	sbr.ind lr, $3  }
0x3a: {  	_ = 	snop  }
0x3b: {  	_ = 	snop  }
0x3c: {  	p2 =	seq.s32 s10, $0x1;
	s10 =	sld [smem:$0x3F9C]  }
0x3d: {  	_ =	shalt  }
0x3e: {  	_ =	shalt  }
0x3f: {  	_ =	shalt  }
0x40: {  	_ =	shalt  }
0x41: {  	_ =	shalt  }
0x42: {  	_ =	shalt  }
0x43: {  	_ =	shalt  }
0x44: {  	_ =	shalt  }
0x45: {  	_ =	shalt  }
0x46: {  	_ =	shalt  }
0x47: {  	_ =	shalt  }
0x48: {  	_ =	shalt  }
0x49: {  	_ =	shalt  }
0x4a: {  	_ =	shalt  }
0x4b: {  	_ =	shalt  }
0x4c: {  	_ =	shalt  }
0x4d: {  	_ =	shalt  }
0x4e: {  	_ =	shalt  }
0x4f: {  	_ =	shalt  }
0x50: {  	_ =	shalt  }
0x51: {  	_ =	shalt  }
0x52: {  	_ =	shalt  }
0x53: {  	_ =	shalt  }
0x54: {  	_ =	shalt  }
0x55: {  	_ =	shalt  }
0x56: {  	_ =	shalt  }
0x57: {  	_ =	shalt  }
0x58: {  	_ =	shalt  }
0x59: {  	_ =	shalt  }
0x5a: {  	_ =	shalt  }
0x5b: {  	_ =	shalt  }
0x5c: {  	_ =	shalt  }
0x5d: {  	_ =	shalt  }
0x5e: {  	_ =	shalt  }
0x5f: {  	_ =	shalt  }
0x60: {  	_ =	shalt  }
0x61: {  	_ =	shalt  }
0x62: {  	_ =	shalt  }
0x63: {  	_ =	shalt  }
0x64: {  	_ =	shalt  }
0x65: {  	_ =	shalt  }
0x66: {  	_ =	shalt  }
0x67: {  	_ =	shalt  }
0x68: {  	_ =	shalt  }
0x69: {  	_ =	shalt  }
0x6a: {  	_ =	shalt  }
0x6b: {  	_ =	shalt  }
0x6c: {  	_ =	shalt  }
0x6d: {  	_ =	shalt  }
0x6e: {  	_ =	shalt  }
0x6f: {  	_ =	shalt  }
0x70: {  	_ =	shalt  }
0x71: {  	_ =	shalt  }
0x72: {  	_ =	shalt  }
0x73: {  	_ =	shalt  }
0x74: {  	_ =	shalt  }
0x75: {  	_ =	shalt  }
0x76: {  	_ =	shalt  }
0x77: {  	_ =	shalt  }
0x78: {  	_ =	shalt  }
0x79: {  	_ =	shalt  }
0x7a: {  	_ =	shalt  }
0x7b: {  	_ =	shalt  }
0x7c: {  	_ =	shalt  }
0x7d: {  	_ =	shalt  }
0x7e: {  	_ =	shalt  }
0x7f: {  	_ =	shalt  }
0x80: {  	_ =	shalt  }
0x81: {  	_ =	shalt  }
0x82: {  	_ =	shalt  }
0x83: {  	_ =	shalt  }
0x84: {  	_ =	shalt  }
0x85: {  	_ =	shalt  }
0x86: {  	_ =	shalt  }
0x87: {  	_ =	shalt  }
.Lfunc_end0:
.L_simem_size_0:
called_computation.2_lowered:
.L_overlay_start_0:
0x88: {  	s2 =	sld [smem:$0x3FD9]  }
0x89: {  	s3 =	sld [smem:$0x3FFE];
	_ =	sdelay $0x1  }
0x8a: {  	s1 =	srdreg.scid  }
0x8b: {  	s0 =	sand.u32 $0x1, s1  }
0x8c: {  	s17 =	sshll.u32 s0, $0xA;
	s2 =	sadd.s32 s3, s2  }
0x8d: {  	s2 =	sadd.s32 s2, s17  }
0x8e: {  	[smem:$0x3FA8] =	sst s2  }
0x8f: {  	_ = 	snop  }
0x90: {  	s2 =	sld [smem:$0x3FAA]  }
0x91: {  	s18 =	sld [smem:$0x3FD0];
	(tm) =	ssettm $0x1  }
0x92: {  	s4 =	sld [smem:$0x3FFB];
	_ =	sdelay $0x3  }
0x93: {  	_ =	strace s4  }
0x94: {  	s4 =	sld [smem:$0x3FFC];
	_ =	sdelay $0x3  }
0x95: {  	_ =	strace s4  }
0x96: {  	s4 =	sld [smem:$0x3FFD];
	_ =	sdelay $0x3  }
0x97: {  	_ =	strace s4  }
0x98: {  	_ =	strace $0x8FFFFFFF  }
0x99: {  	s19 =	sld [smem:$0x3FDB];
	_ =	sdelay $0x1  }
0x9a: {  	s5 =	simm.s32 $_scs_section_size  }
0x9b: {  	s6 =	simm.s32 $_size__tile_overlayer_lowered;
	s7 =	simm.s32 $_tile_overlayer_lowered  }
0x9c: {  	s22 =	simm.s32 $0x1BFF;
	s21 =	sshll.u32 s7, $0x1;
	s4 =	sadd.s32 s5, s19  }
0x9d: {  	s8 =	simm.s32 $0x0;
	s20 =	sshll.u32 s6, $0x1;
	s6 =	sadd.s32 s21, s4  }
0x9e: {  	[timem:s8], [sflag:s22] =	dma.local [hbm:s6], s20  }
0x9f: {  	_ =	swait.ge [sflag:s22], s20  }
0xa0: {  	s5 =	ssub.s32 $0x0, s20;
	[sflag:s22] =	ssyncset.done $0x0  }
0xa1: {  	[sflag:s22] =	ssyncadd.s32 s5;
	_ =	sdelay $0x1  }
0xa2: {  	s23 =	simm.s32 $0x1B8B  }
0xa3: {  	_ =	swait.ge [sflag:s23], $0x1  }
0xa4: {  	[sflag:s23] =	ssyncset.done $0x0  }
0xa5: {  	s25 =	simm.s32 $0x1B8E;
	s24 =	sld [smem:$0x3FFE];
	[sflag:s23] =	ssyncadd.s32 $0xFFFFFFFF  }
0xa6: {  	s26 =	simm.s32 $execute0_lowered;
	[smem:$0x3FD2] =	sst s25  }
0xa7: {  	s6 =	sshll.u32 s26, $0x1;
	_ =	strace $0x80000046;
	[dreg:$0x1] =	wrdreg $0xFFFFFFFF  }
0xa8: {  	s28 =	simm.s32 $_size_execute0_lowered;
	s4 =	sadd.s32 s4, s6;
	[dreg:$0x0] =	wrdreg $0x0  }
0xa9: {  	s6 =	sshll.u32 s28, $0x1;
	[dreg:$0x2] =	wrdreg s4  }
0xaa: {  	[dreg:$0x3] =	wrdreg s6  }
0xab: {  	[dreg:$0x4] =	wrdreg $0xC0  }
0xac: {  	_ =	task [dreg:s8], $0x5FFFF  }
0xad: {  	[dreg:$0x1] =	wrdreg $0xFFFFFFFF  }
0xae: {  	[dreg:$0x0] =	wrdreg $0x60  }
0xaf: {  	[dreg:$0x2] =	wrdreg s2  }
0xb0: {  	[dreg:$0x3] =	wrdreg s18  }
0xb1: {  	[dreg:$0x4] =	wrdreg s24  }
0xb2: {  	[dreg:$0x5] =	wrdreg $0x9  }
0xb3: {  	_ =	task.clear_ibuf [dreg:s8], $0x6FFFF;
	_ =	strace $0x90000046  }
0xb4: {  	s29 =	simm.s32 $0x9;
	_ =	strace $0x80000048  }
0xb5: {  	_ =	swait.ge [sflag:s29], $0x1  }
0xb6: {  	[sflag:s29] =	ssyncadd.s32 $0xFFFFFFFF  }
0xb7: {  	_ =	strace $0x90000048  }
0xb8: {  	_ =	sfence  }
0xb9: {  	s30 =	sld [smem:$0x0];
	_ =	sdelay $0x2  }
0xba: {  	s31 =	sshll.u32 s1, $0xD;
	s1 =	sshrl.u32 s1, $0x2  }
0xbb: {  	s3 =	sand.u32 $0x4000, s31;
	s1 =	sadd.s32 s1, s30  }
0xbc: {  	s0 =	sor.u32 s3, s0;
	s1 =	sshll.u32 s1, $0x11  }
0xbd: {  	s0 =	sor.u32 s1, s0  }
0xbe: {  	s0 =	sadd.s32 $0x8F2B, s0  }
0xbf: {  	[sflag:s0] =	ssyncadd.remote.s32 $0x1  }
0xc0: {  	_ =	sfence.sel $0xFFFF  }
0xc1: {  	[dreg:$0x0] =	wrdreg $0xFFFFFFFF;
	(pc) =	sbr.abs _section_cstart, $3  }
0xc2: {  	[dreg:$0x1] =	wrdreg $0xFFFFFFFF  }
0xc3: {  	_ =	task.clear_ibuf [dreg:s8], $0x2FFFF;
	_ =	strace $0x9FFFFFFF  }
0xc4: {  	(tm) =	ssettm $0x7FFFFFFF  }
0xc5: {  	_ =	shalt  }
tec
execute0_lowered:
.L_overlay_start_1:
0x0: {  	(tag) =	ssettag $0x1  }
0x1: {  	s2 =	rddreg [dreg:$0x0]  }
0x2: {  	s3 =	rddreg [dreg:$0x1]  }
0x3: {  	s4 =	rddreg [dreg:$0x2]  }
0x4: {  	s0 =	rddreg [dreg:$0x3];
	s1 =	srdreg.scid  }
0x5: {  	_ =	strace $0x80000047;
	s5 =	simm.s32 $0x1;
	s6 =	sshll.u32 s1, $0x4  }
.Ltmp0:
0x6: {  	s1 =	stileid.u32;
	s6 =	sand.u32 $0x10, s6;
	(pc) =	sbr.rel .LBB2_1-.Ltmp0, $4  }
0x7: {  	s9 =	simm.s32 $0x3;
	s11 =	simm.s32 $0x0;
	s7 =	sor.u32 s1, s6  }
0x8: {  	[sflag:s5] =	ssyncpa.u1 $0x0;
	s6 =	simm.s32 $0x2;
	s7 =	sshll.u32 s7, $0x6  }
0x9: {  	p0 =	por $0x0, $0x0;
	[sflag:s6] =	ssyncpa.u1 $0x0;
	s8 =	sadd.s32 $0x40, s7  }
0xa: {  	vm0 =	vmmov $0xff;
	vm1 =	vcmask $0x3F20;
	[sflag:s9] =	ssyncpa.u1 $0x0;
	s10 =	smov.u32 s7;
	s9 =	simm.s32 $0x0  }
.LBB2_9:
0xb: {  	p1 =	slt.u32 s9, $0x2;
	s11 =	sadd.s32 $0x20, s10  }
0xc: {  	s13 =	smov.u32 s7;
	s9 =	sadd.s32 $0x1, s9;
	p2 =	slt.s32 s11, s8  }
0xd: {  	s13 =	smov.u32 @p2 s11;
	p2 =	sne.s32 s9, $0x4  }
.Ltmp1:
0xe: {  	_ = 	snop;
	(pc) =	sbr.rel @!p2 .LBB2_10-.Ltmp1, $4  }
0xf: {  	s12 =	simm.s32 @!p1 $0x3  }
0x10: {  	_ =	swait.ge @!p1 [sflag:s12], $0x8000  }
0x11: {  	p0 =	por !p0, !p0;
	[sflag:s12] =	ssyncset.done @!p1 $0x0  }
0x12: {  	s11 =	smov.u32 s10;
	s10 =	smov.u32 s13;
	[sflag:s12] =	ssyncadd.s32 @!p1 $0xFFFF8000  }
.LBB2_1:
0x13: {  	p1 =	sgt.u32 s9, $0x1  }
0x14: {  	s12 =	sshll.u32 @!p1 s9, $0x5;
	s13 =	sshrl.u32 @!p1 s10, $0x3  }
0x15: {  	s14 =	sand.u32 @!p1 $0x7, s10;
	s12 =	sxor.u32 @!p1 $0x20, s12;
	s13 =	sadd.s32 @!p1 s3, s13  }
0x16: {  	[tilespmem:s12], [sflag:$0x2] =	stream.linear.gather @!p1 [hbm4b:s13+s14], $0x20, $0x38;
	[tilespmem:$0x10040] =	vst v63  }
0x17: {  	p1 =	seq.s32 s9, $0x0  }
0x18: {  	p2 =	seq.s32 @!p1 s9, $0x3  }
0x19: {  	p1 =	por p1, p2  }
.Ltmp2:
0x1a: {  	_ = 	snop;
	(pc) =	sbr.rel @p1 .LBB2_9-.Ltmp2, $1  }
0x1b: {  	_ =	sdelay $0x3  }
0x1c: {  	s12 =	simm.s32 $0x1  }
0x1d: {  	_ =	swait.ge [sflag:s6], $0x20;
	s13 =	sand.u32 $0x1, s9;
	s12 =	simm.s32 @!p0 $0x0  }
0x1e: {  	s15 =	simm.s32 $0x0;
	p2 =	por $0x1, $0x1;
	s12 =	sshll.u32 s12, $0x11  }
0x1f: {  	[sflag:s6] =	ssyncset.done $0x0;
	s13 =	sshll.u32 s13, $0x5;
	s14 =	sshrl.u32 s12, $0x2  }
0x20: {  	[sflag:s6] =	ssyncadd.s32 $0xFFFFFFE0;
	s12 =	sor.u32 $0x40, s14;
	s14 =	sadd.s32 $0x40, s14  }
.LBB2_3:
0x21: {  	s16 =	sshll.u32 s15, $0x4  }
0x22: {  	s16 =	sand.u32 $0x3FFFFFF0, s16  }
0x23: {  	s16 =	sadd.s32 s16, s13  }
0x24: {  	v0 =	vld.msk [tilespmem:s16+$0x0 ss:$0x1], $0xffff;
	_ =	sdelay $0x4  }
0x25: {  	vm2 =	vgt.s32 v0, $0x0  }
0x26: {  	v0 =	vnsel vm2, $0x0, v0  }
0x27: {  	v0 =	vmin.u32 v0, $0x7CFF  }
0x28: {  	v1 =	vshll.u32 v0, $0x7;
	v0 =	vshll.u32 v0, $0x4  }
0x29: {  	v1 =	vand.u32 $0x3FFC00, v1;
	v0 =	vand.u32 $0x70, v0  }
0x2a: {  	v0 =	vor.u32 v0, v1  }
0x2b: {  	s31 =	sshll.u32 s15, $0x10  }
0x2c: {  	s15 =	sshra.s32 s31, $0x2  }
0x2d: {  	s15 =	sadd.s32 s15, s14  }
0x2e: {  	s17 =	sadd.s32 $0x0, s15  }
0x2f: {  	[tilespmem:s17], [sflag:$0x1] =	stream.indirect_vreg.gather [hbm:s2], $0x80, v0, vm0, $0x38;
	[tilespmem:$0x10040] =	vst v63  }
0x30: {  	p1 =	por p2, p2;
	s16 =	simm.s32 $0x1000;
	v1 =	vadd.s32 $0x80, v0;
	s17 =	sadd.s32 $0x2000, s17  }
.LBB2_4:
0x31: {  	[tilespmem:s17], [sflag:$0x1] =	stream.indirect_vreg.gather [hbm:s2], $0x80, v0, vm1, $0x38;
	[tilespmem:$0x10040] =	vst v63  }
0x32: {  	v0 =	vmov v1;
	s17 =	smov.u32 s16;
	p2 =	sne.s32 s16, $0x7000  }
.Ltmp3:
0x33: {  	s16 =	sadd.s32 $0x1000, s16;
	(pc) =	sbr.rel @p2 .LBB2_4-.Ltmp3, $4  }
0x34: {  	s17 =	sshra.s32 s17, $0x2  }
0x35: {  	s17 =	sadd.s32 s17, s15  }
0x36: {  	[tilespmem:s17], [sflag:$0x1] =	stream.indirect_vreg.gather [hbm:s2], $0x80, v1, vm0, $0x38;
	[tilespmem:$0x10040] =	vst v63  }
0x37: {  	s17 =	sadd.s32 $0x2000, s17;
	v1 =	vadd.s32 $0x80, v1  }
0x38: {  	_ = 	snop  }
.Ltmp4:
0x39: {  	_ = 	snop;
	(pc) =	sbr.rel @p1 .LBB2_3-.Ltmp4, $3  }
0x3a: {  	_ =	sdelay $0x1  }
0x3b: {  	[tilespmem:s17], [sflag:$0x1] =	stream.indirect_vreg.gather [hbm:s2], $0x80, v0, vm1, $0x38;
	[tilespmem:$0x10040] =	vst v63  }
0x3c: {  	s15 =	simm.s32 $0x1;
	p2 =	por $0x0, $0x0  }
0x3d: {  	s13 =	sshll.u32 s11, $0x7  }
0x3e: {  	s31 =	sshll.u32 s11, $0x4;
	s13 =	sand.u32 $0xFFFFFC00, s13  }
0x3f: {  	_ =	swait.ge [sflag:s5], $0x8000;
	s11 =	sand.u32 $0x70, s31;
	s13 =	sadd.s32 s13, s4  }
0x40: {  	s14 =	sadd.s32 $0x2000, s12;
	[sflag:s5] =	ssyncset.done $0x0;
	s11 =	sadd.s32 s11, s13  }
0x41: {  	[sflag:s5] =	ssyncadd.s32 $0xFFFF8000;
	s13 =	simm.s32 $0x400;
	s15 =	sadd.s32 $0x0, s11  }
.LBB2_7:
0x42: {  	[hbm:s15] =	stream.linear.scatter [tilespmem:s12], [sflag:$0x3], $0x2000, $0x38;
	[tilespmem:$0x10040] =	vst v63  }
0x43: {  	s15 =	smov.u32 s13;
	s12 =	smov.u32 s14;
	p1 =	sne.s32 s13, $0xC00  }
.Ltmp5:
0x44: {  	s13 =	sadd.s32 $0x400, s13;
	(pc) =	sbr.rel @p1 .LBB2_7-.Ltmp5, $2  }
0x45: {  	_ =	sdelay $0x2  }
0x46: {  	s14 =	sadd.s32 $0x2000, s14;
	s15 =	sadd.s32 s15, s11  }
.Ltmp6:
0x47: {  	(pc) =	sbr.rel .LBB2_9-.Ltmp6, $2  }
0x48: {  	_ =	sdelay $0x2  }
0x49: {  	[hbm:s15] =	stream.linear.scatter [tilespmem:s12], [sflag:$0x3], $0x2000, $0x38;
	[tilespmem:$0x10040] =	vst v63  }
.LBB2_10:
0x4a: {  	_ =	sfence.sel $0x180000  }
0x4b: {  	s2 =	simm.s32 $0x2;
	[bflag:$0x0] =	sbarrier.arrive $0xFFFF  }
0x4c: {  	s30 =	simm.s32 $0x3;
	[sflag:s2] =	ssyncpa.u1 $0x1  }
0x4d: {  	s31 =	simm.s32 $0x1;
	[sflag:s30] =	ssyncpa.u1 $0x1  }
0x4e: {  	[sflag:s31] =	ssyncpa.u1 $0x1  }
0x4f: {  	p0 =	sne.s32 s1, $0x0;
	_ =	strace $0x90000047  }
0x50: {  	s0 =	sadd.s32 @!p0 $0x100000, s0;
	[bflag:$0x2] =	sbarrier.arrive $0xFFFF  }
0x51: {  	[sflag:s0] =	ssyncadd.tile.s32 @!p0 $0x1;
	_ =	shalt  }
.Lfunc_end2:
_tile_overlayer_lowered:
.L_overlay_start_2:
0x52: {  	(tag) =	ssettag $0x2  }
0x53: {  	s0 =	rddreg [dreg:$0x0];
	s2 =	stileid.u32  }
0x54: {  	s1 =	rddreg [dreg:$0x1];
	p0 =	sne.s32 s2, $0x0  }
0x55: {  	s3 =	rddreg [dreg:$0x2];
	[bflag:$0x3] =	sbarrier.arrive $0xFFFF;
	s2 =	simm.s32 @!p0 $0x1C01  }
0x56: {  	[timem:s3], [sflag:s2] =	dma.local @!p0 [hbm:s0], s1  }
0x57: {  	s0 =	simm.s32 @!p0 $0x1  }
0x58: {  	_ =	swait.ge @!p0 [sflag:s0], s1  }
0x59: {  	s1 =	ssub.s32 @!p0 $0x0, s1;
	[sflag:s0] =	ssyncset.done @!p0 $0x0  }
0x5a: {  	[sflag:s0] =	ssyncadd.s32 @!p0 s1  }
0x5b: {  	[bflag:$0x3] =	sbarrier.arrive $0xFFFF  }
0x5c: {  	_ =	shalt  }

// kernel: sparse-core-data-format-call.1.cloned.1.call-start
scs
called_computation.1_lowered:
.L_overlay_start_0:
0x0: {  	s2 =	sld [smem:$0x3FD9]  }
0x1: {  	s3 =	sld [smem:$0x3FFE];
	_ =	sdelay $0x1  }
0x2: {  	s1 =	srdreg.scid  }
0x3: {  	s0 =	sand.u32 $0x1, s1  }
0x4: {  	s18 =	sshll.u32 s0, $0xA;
	s2 =	sadd.s32 s3, s2  }
0x5: {  	s2 =	sadd.s32 s2, s18  }
0x6: {  	[smem:$0x3FA8] =	sst s2  }
0x7: {  	_ = 	snop  }
0x8: {  	s2 =	sld [smem:$0x3FD0];
	(tm) =	ssettm $0x1  }
0x9: {  	s19 =	sld [smem:$0x3FFB];
	_ =	sdelay $0x3  }
0xa: {  	_ =	strace s19  }
0xb: {  	s3 =	sld [smem:$0x3FFC];
	_ =	sdelay $0x3  }
0xc: {  	_ =	strace s3  }
0xd: {  	s3 =	sld [smem:$0x3FFD];
	_ =	sdelay $0x3  }
0xe: {  	_ =	strace s3  }
0xf: {  	_ =	strace $0x8FFFFFFF  }
0x10: {  	s20 =	sld [smem:$0x3FDB];
	_ =	sdelay $0x1  }
0x11: {  	s4 =	simm.s32 $_scs_section_size  }
0x12: {  	s5 =	simm.s32 $_size__tile_overlayer_lowered;
	s6 =	simm.s32 $_tile_overlayer_lowered  }
0x13: {  	s23 =	simm.s32 $0x1BFF;
	s22 =	sshll.u32 s6, $0x1;
	s3 =	sadd.s32 s4, s20  }
0x14: {  	s7 =	simm.s32 $0x0;
	s21 =	sshll.u32 s5, $0x1;
	s5 =	sadd.s32 s22, s3  }
0x15: {  	[timem:s7], [sflag:s23] =	dma.local [hbm:s5], s21  }
0x16: {  	_ =	swait.ge [sflag:s23], s21  }
0x17: {  	s4 =	ssub.s32 $0x0, s21;
	[sflag:s23] =	ssyncset.done $0x0  }
0x18: {  	[sflag:s23] =	ssyncadd.s32 s4;
	_ =	sdelay $0x1  }
0x19: {  	s24 =	simm.s32 $0x1B8B  }
0x1a: {  	_ =	swait.ge [sflag:s24], $0x1  }
0x1b: {  	[sflag:s24] =	ssyncset.done $0x0  }
0x1c: {  	s26 =	simm.s32 $0x1B8E;
	s25 =	sld [smem:$0x3FFE];
	[sflag:s24] =	ssyncadd.s32 $0xFFFFFFFF  }
0x1d: {  	s27 =	simm.s32 $execute0_lowered;
	[smem:$0x3FD2] =	sst s26  }
0x1e: {  	s5 =	sshll.u32 s27, $0x1;
	_ =	strace $0x80000049;
	[dreg:$0x1] =	wrdreg $0xFFFFFFFF  }
0x1f: {  	s28 =	simm.s32 $_size_execute0_lowered;
	s3 =	sadd.s32 s3, s5;
	[dreg:$0x0] =	wrdreg $0x0  }
0x20: {  	s5 =	sshll.u32 s28, $0x1;
	[dreg:$0x2] =	wrdreg s3  }
0x21: {  	[dreg:$0x3] =	wrdreg s5  }
0x22: {  	[dreg:$0x4] =	wrdreg $0xC0  }
0x23: {  	_ =	task [dreg:s7], $0x5FFFF  }
0x24: {  	[dreg:$0x1] =	wrdreg $0xFFFFFFFF  }
0x25: {  	[dreg:$0x0] =	wrdreg $0x60  }
0x26: {  	[dreg:$0x2] =	wrdreg s25  }
0x27: {  	[dreg:$0x3] =	wrdreg s2  }
0x28: {  	[dreg:$0x4] =	wrdreg $0x9  }
0x29: {  	_ =	task.clear_ibuf [dreg:s7], $0x5FFFF;
	_ =	strace $0x90000049  }
0x2a: {  	s29 =	simm.s32 $0x9;
	_ =	strace $0x8000004B  }
0x2b: {  	_ =	swait.ge [sflag:s29], $0x1  }
0x2c: {  	[sflag:s29] =	ssyncadd.s32 $0xFFFFFFFF  }
0x2d: {  	_ =	strace $0x9000004B  }
0x2e: {  	_ =	sfence  }
0x2f: {  	s30 =	sld [smem:$0x0];
	_ =	sdelay $0x2  }
0x30: {  	s31 =	sshll.u32 s1, $0xD;
	s1 =	sshrl.u32 s1, $0x2  }
0x31: {  	s3 =	sand.u32 $0x4000, s31;
	s1 =	sadd.s32 s1, s30  }
0x32: {  	s0 =	sor.u32 s3, s0;
	s1 =	sshll.u32 s1, $0x11  }
0x33: {  	s0 =	sor.u32 s1, s0  }
0x34: {  	s0 =	sadd.s32 $0x8F2B, s0  }
0x35: {  	[sflag:s0] =	ssyncadd.remote.s32 $0x1  }
0x36: {  	_ =	sfence.sel $0xFFFF  }
0x37: {  	[dreg:$0x0] =	wrdreg $0xFFFFFFFF;
	(pc) =	sbr.abs _section_cstart, $3  }
0x38: {  	[dreg:$0x1] =	wrdreg $0xFFFFFFFF  }
0x39: {  	_ =	task.clear_ibuf [dreg:s7], $0x2FFFF;
	_ =	strace $0x9FFFFFFF  }
0x3a: {  	(tm) =	ssettm $0x7FFFFFFF  }
0x3b: {  	_ =	shalt  }
tec
execute0_lowered:
.L_overlay_start_1:
0x0: {  	(tag) =	ssettag $0x1  }
0x1: {  	s0 =	stileid.u32;
	s4 =	rddreg [dreg:$0x0]  }
0x2: {  	s1 =	srdreg.scid;
	s3 =	rddreg [dreg:$0x1];
	s7 =	simm.s32 $0x1  }
0x3: {  	s31 =	simm.s32 $0x2;
	s2 =	sshll.u32 s0, $0x4;
	s1 =	sshll.u32 s1, $0x8  }
0x4: {  	s15 =	simm.s32 $0x0;
	s9 =	simm.s32 $0x2000;
	s1 =	sor.u32 s2, s1  }
0x5: {  	s10 =	simm.s32 $0x0;
	s16 =	simm.s32 $0x0;
	s2 =	sand.u32 $0x180, s1  }
0x6: {  	s17 =	simm.s32 $0x0;
	s11 =	simm.s32 $0x0;
	s5 =	ssub.s32 $0x800, s2  }
0x7: {  	s14 =	simm.s32 $0x0;
	s4 =	sadd.s32 $0x68000, s4;
	s6 =	sand.u32 $0x180, s5  }
.Ltmp0:
0x8: {  	s1 =	rddreg [dreg:$0x2];
	p0 =	sne.s32 s6, $0x0;
	(pc) =	sbr.rel .LBB1_1-.Ltmp0, $4  }
0x9: {  	_ =	strace $0x8000004A;
	s8 =	sshrl.u32 s5, $0x9;
	s7 =	simm.s32 @!p0 $0x0  }
0xa: {  	s12 =	smov.u32 s2;
	s6 =	simm.s32 $0x1;
	s7 =	sadd.s32 s7, s8  }
0xb: {  	s5 =	sand.u32 $0x7, s0;
	[sflag:s6] =	ssyncpa.u1 $0x0;
	s7 =	sshll.u32 s7, $0x3  }
0xc: {  	s13 =	smov.u32 s5;
	[sflag:s31] =	ssyncpa.u1 $0x0;
	s8 =	sor.u32 $0x1, s7  }
.LBB1_4:
0xd: {  	_ =	sdelay $0x3  }
0xe: {  	[tilespmem:v0+s20+$0xFFFFFFA0 ss:$0x1] =	vst.idx.msk $0xffff, v6  }
0xf: {  	v56 =	vld.idx.msk [tilespmem:v1+s19+$0x30 ss:$0x1], $0xffff;
	[tilespmem:v0+s20+$0xFFFFFFB0 ss:$0x1] =	vst.idx.msk $0xffff, v4  }
0x10: {  	v57 =	vld.idx.msk [tilespmem:v1+s19+$0xFFFFFFC0 ss:$0x1], $0xffff;
	[tilespmem:v0+s20+$0xFFFFFFC0 ss:$0x1] =	vst.idx.msk $0xffff, v2  }
0x11: {  	v58 =	vld.idx.msk [tilespmem:v1+s19+$0xFFFFFFD0 ss:$0x1], $0xffff;
	[tilespmem:v0+s20+$0xFFFFFFD0 ss:$0x1] =	vst.idx.msk $0xffff, v3  }
0x12: {  	v59 =	vld.idx.msk [tilespmem:v1+s19+$0xFFFFFFE0 ss:$0x1], $0xffff;
	[tilespmem:v0+s20+$0xFFFFFFE0 ss:$0x1] =	vst.idx.msk $0xffff, v5  }
0x13: {  	v60 =	vld.idx.msk [tilespmem:v1+s19+$0xFFFFFFF0 ss:$0x1], $0xffff;
	[tilespmem:v0+s20+$0xFFFFFFF0 ss:$0x1] =	vst.idx.msk $0xffff, v7  }
0x14: {  	v61 =	vld.idx.msk [tilespmem:v1+s19+$0x0 ss:$0x1], $0xffff;
	[tilespmem:v0+s19+$0x0 ss:$0x1] =	vst.idx.msk $0xffff, v56  }
0x15: {  	v62 =	vld.idx.msk [tilespmem:v1+s19+$0x10 ss:$0x1], $0xffff;
	[tilespmem:v0+s19+$0xFFFFFF90 ss:$0x1] =	vst.idx.msk $0xffff, v57  }
0x16: {  	v63 =	vld.idx.msk [tilespmem:v1+s19+$0x20 ss:$0x1], $0xffff;
	[tilespmem:v0+s19+$0xFFFFFFA0 ss:$0x1] =	vst.idx.msk $0xffff, v58  }
0x17: {  	s17 =	sshll.u32 s17, $0x7;
	s29 =	sand.u32 $0x78, s15;
	[tilespmem:v0+s19+$0xFFFFFFB0 ss:$0x1] =	vst.idx.msk $0xffff, v59  }
0x18: {  	s16 =	sshll.u32 s16, $0xA;
	s30 =	sand.u32 $0x380, s15;
	s17 =	sand.u32 $0x380, s17;
	[tilespmem:v0+s19+$0xFFFFFFC0 ss:$0x1] =	vst.idx.msk $0xffff, v60  }
0x19: {  	s31 =	sand.u32 $0x7, s15;
	s16 =	sadd.s32 s3, s16;
	s17 =	sor.u32 s17, s29;
	[tilespmem:v0+s19+$0xFFFFFFD0 ss:$0x1] =	vst.idx.msk $0xffff, v61  }
0x1a: {  	s15 =	sshll.u32 s31, $0x12;
	s16 =	sadd.s32 s30, s16;
	s17 =	sshrl.u32 s17, $0x3;
	[tilespmem:v0+s19+$0xFFFFFFE0 ss:$0x1] =	vst.idx.msk $0xffff, v62  }
0x1b: {  	s15 =	sor.u32 $0x80, s15;
	s16 =	sadd.s32 s17, s16;
	[tilespmem:v0+s19+$0xFFFFFFF0 ss:$0x1] =	vst.idx.msk $0xffff, v63  }
0x1c: {  	[hbm4b:s16+s15] =	stream.strided.scatter [tilespmem:s18], [sflag:$0x2], $0x4000, s9, s15, $0x38;
	[tilespmem:$0x10000] =	vst v63  }
.LBB1_5:
0x1d: {  	s18 =	sadd.s32 $0x80, s11  }
0x1e: {  	s15 =	sadd.s32 $0x200, s12;
	s19 =	smov.u32 s12;
	p1 =	sgt.s32 s18, $0x3FF  }
0x1f: {  	s19 =	smov.u32 @p1 s15  }
0x20: {  	s21 =	smov.u32 s13;
	s15 =	sadd.s32 $0x8, s13;
	p2 =	sgt.s32 s19, $0x7FF  }
0x21: {  	s21 =	smov.u32 @p2 s15  }
0x22: {  	s18 =	simm.s32 @p1 $0x0;
	p1 =	sgt.s32 s21, $0x7  }
0x23: {  	p0 =	slt.u32 s14, $0x2;
	s21 =	smov.u32 @p1 s5;
	p1 =	sne.s32 s14, s8  }
.Ltmp1:
0x24: {  	s20 =	simm.s32 @!p0 $0x2;
	(pc) =	sbr.rel @!p1 .LBB1_6-.Ltmp1, $4  }
0x25: {  	s16 =	smov.u32 s12;
	s17 =	smov.u32 s13;
	_ =	swait.ge @!p0 [sflag:s20], $0x4000  }
0x26: {  	s10 =	sadd.s32 $0x4000, s10;
	[sflag:s20] =	ssyncset.done @!p0 $0x0;
	s19 =	smov.u32 @p2 s2  }
0x27: {  	s15 =	smov.u32 s11;
	[sflag:s20] =	ssyncadd.s32 @!p0 $0xFFFFC000;
	s11 =	smov.u32 s18  }
0x28: {  	s12 =	smov.u32 s19;
	s14 =	sadd.s32 $0x1, s14;
	s13 =	smov.u32 s21  }
.LBB1_1:
0x29: {  	p0 =	sge.u32 s14, s7  }
0x2a: {  	s31 =	sadd.s32 $0xFFFFFFFF, s14;
	s18 =	sshll.u32 @!p0 s12, $0x7  }
0x2b: {  	s19 =	sxor.u32 @!p0 $0xFFFFFFFF, s14;
	s20 =	sand.u32 @!p0 $0x78, s11;
	s21 =	sand.u32 @!p0 $0x380, s18  }
0x2c: {  	s19 =	sshll.u32 @!p0 s19, $0xE;
	s20 =	sor.u32 @!p0 s20, s21;
	s21 =	sshll.u32 @!p0 s13, $0x12  }
0x2d: {  	s18 =	sand.u32 @!p0 $0x3FC00, s18;
	s20 =	sshrl.u32 @!p0 s20, $0x3;
	s21 =	sadd.s32 @!p0 s4, s21  }
0x2e: {  	s18 =	sadd.s32 @!p0 s11, s18;
	s20 =	sadd.s32 @!p0 s20, s21;
	s21 =	sand.u32 @!p0 $0x7, s11  }
0x2f: {  	s19 =	sand.u32 @!p0 $0x4000, s19;
	s18 =	sand.u32 @!p0 $0x3FF80, s18;
	s21 =	sshll.u32 @!p0 s21, $0x12  }
0x30: {  	s18 =	sadd.s32 @!p0 s18, s20;
	s20 =	sor.u32 @!p0 $0x400, s21;
	s21 =	simm.s32 @!p0 $0x2000  }
0x31: {  	[tilespmem:s19], [sflag:$0x1] =	stream.strided.gather @!p0 [hbm4b:s18+s20], $0x4000, s21, s20, $0x38;
	[tilespmem:$0x10000] =	vst v63  }
0x32: {  	p0 =	sge.u32 s31, s7  }
.Ltmp2:
0x33: {  	_ = 	snop;
	(pc) =	sbr.rel @p0 .LBB1_5-.Ltmp2, $1  }
0x34: {  	_ =	sdelay $0x3  }
0x35: {  	s18 =	sand.u32 $0x4000, s10  }
0x36: {  	s19 =	sor.u32 $0x40, s18  }
0x37: {  	v1 =	vmov s19;
	_ =	sdelay $0x1  }
0x38: {  	_ =	swait.ge [sflag:s6], $0x4000  }
0x39: {  	[sflag:s6] =	ssyncset.done $0x0  }
0x3a: {  	s20 =	simm.s32 $0x0;
	[sflag:s6] =	ssyncadd.s32 $0xFFFFC000  }
0x3b: {  	s18 =	sor.u32 $0x8070, s18;
	v7 =	vld.idx.msk [tilespmem:v1+s20+$0x30 ss:$0x1], $0xffff  }
0x3c: {  	v0 =	vmov s18;
	v8 =	vld.idx.msk [tilespmem:v1+s20+$0xFFFFFFC0 ss:$0x1], $0xffff  }
0x3d: {  	v6 =	vld.idx.msk [tilespmem:v1+s20+$0xFFFFFFD0 ss:$0x1], $0xffff  }
0x3e: {  	v4 =	vld.idx.msk [tilespmem:v1+s20+$0xFFFFFFE0 ss:$0x1], $0xffff  }
0x3f: {  	v2 =	vld.idx.msk [tilespmem:v1+s20+$0xFFFFFFF0 ss:$0x1], $0xffff  }
0x40: {  	s31 =	sshll.u32 s14, $0xE;
	v3 =	vld.idx.msk [tilespmem:v1+s20+$0x0 ss:$0x1], $0xffff  }
0x41: {  	s18 =	sand.u32 $0x4000, s31;
	v5 =	vld.idx.msk [tilespmem:v1+s20+$0x10 ss:$0x1], $0xffff;
	[tilespmem:v0+s20+$0x0 ss:$0x1] =	vst.idx.msk $0xffff, v7  }
0x42: {  	s21 =	simm.s32 $0x400;
	s19 =	simm.s32 $0x80;
	s18 =	sor.u32 $0x8000, s18;
	[tilespmem:v0+s20+$0xFFFFFF90 ss:$0x1] =	vst.idx.msk $0xffff, v8;
	v7 =	vld.idx.msk [tilespmem:v1+s20+$0x20 ss:$0x1], $0xffff  }
.LBB1_3:
0x43: {  	p0 =	sne.s32 s21, $0xFE00;
	v8 =	vld.idx.msk [tilespmem:v1+s19+$0x30 ss:$0x1], $0xffff;
	[tilespmem:v0+s20+$0xFFFFFFA0 ss:$0x1] =	vst.idx.msk $0xffff, v6  }
0x44: {  	v9 =	vld.idx.msk [tilespmem:v1+s19+$0xFFFFFFC0 ss:$0x1], $0xffff;
	[tilespmem:v0+s20+$0xFFFFFFB0 ss:$0x1] =	vst.idx.msk $0xffff, v4  }
0x45: {  	v6 =	vld.idx.msk [tilespmem:v1+s19+$0xFFFFFFD0 ss:$0x1], $0xffff;
	[tilespmem:v0+s20+$0xFFFFFFC0 ss:$0x1] =	vst.idx.msk $0xffff, v2  }
.Ltmp3:
0x46: {  	v4 =	vld.idx.msk [tilespmem:v1+s19+$0xFFFFFFE0 ss:$0x1], $0xffff;
	[tilespmem:v0+s20+$0xFFFFFFD0 ss:$0x1] =	vst.idx.msk $0xffff, v3;
	(pc) =	sbr.rel @p0 .LBB1_3-.Ltmp3, $4  }
0x47: {  	v2 =	vld.idx.msk [tilespmem:v1+s19+$0xFFFFFFF0 ss:$0x1], $0xffff;
	[tilespmem:v0+s20+$0xFFFFFFE0 ss:$0x1] =	vst.idx.msk $0xffff, v5  }
0x48: {  	v3 =	vld.idx.msk [tilespmem:v1+s19+$0x0 ss:$0x1], $0xffff;
	[tilespmem:v0+s20+$0xFFFFFFF0 ss:$0x1] =	vst.idx.msk $0xffff, v7;
	s20 =	smov.u32 s19  }
0x49: {  	v5 =	vld.idx.msk [tilespmem:v1+s20+$0x10 ss:$0x1], $0xffff;
	[tilespmem:v0+s20+$0x0 ss:$0x1] =	vst.idx.msk $0xffff, v8  }
0x4a: {  	s19 =	sshra.s32 s21, $0x2;
	s21 =	sadd.s32 $0x200, s21;
	[tilespmem:v0+s20+$0xFFFFFF90 ss:$0x1] =	vst.idx.msk $0xffff, v9;
	v7 =	vld.idx.msk [tilespmem:v1+s20+$0x20 ss:$0x1], $0xffff  }
.Ltmp4:
0x4b: {  	_ = 	snop;
	(pc) =	sbr.rel .LBB1_4-.Ltmp4, $1  }
0x4c: {  	_ =	sdelay $0x3  }
.LBB1_6:
0x4d: {  	_ =	sfence.sel $0x180000  }
0x4e: {  	s2 =	simm.s32 $0x1;
	[bflag:$0x0] =	sbarrier.arrive $0xFFFF  }
0x4f: {  	s31 =	simm.s32 $0x2;
	[sflag:s2] =	ssyncpa.u1 $0x1  }
0x50: {  	[sflag:s31] =	ssyncpa.u1 $0x1  }
0x51: {  	p0 =	sne.s32 s0, $0x0;
	_ =	strace $0x9000004A  }
0x52: {  	s0 =	sadd.s32 @!p0 $0x100000, s1;
	[bflag:$0x2] =	sbarrier.arrive $0xFFFF  }
0x53: {  	[sflag:s0] =	ssyncadd.tile.s32 @!p0 $0x1;
	_ =	shalt  }
.Lfunc_end1:
_tile_overlayer_lowered:
.L_overlay_start_2:
0x54: {  	(tag) =	ssettag $0x2  }
0x55: {  	s0 =	rddreg [dreg:$0x0];
	s2 =	stileid.u32  }
0x56: {  	s1 =	rddreg [dreg:$0x1];
	p0 =	sne.s32 s2, $0x0  }
0x57: {  	s3 =	rddreg [dreg:$0x2];
	[bflag:$0x3] =	sbarrier.arrive $0xFFFF;
	s2 =	simm.s32 @!p0 $0x1C01  }
0x58: {  	[timem:s3], [sflag:s2] =	dma.local @!p0 [hbm:s0], s1  }
0x59: {  	s0 =	simm.s32 @!p0 $0x1  }
0x5a: {  	_ =	swait.ge @!p0 [sflag:s0], s1  }
0x5b: {  	s1 =	ssub.s32 @!p0 $0x0, s1;
	[sflag:s0] =	ssyncset.done @!p0 $0x0  }
0x5c: {  	[sflag:s0] =	ssyncadd.s32 @!p0 s1  }
0x5d: {  	[bflag:$0x3] =	sbarrier.arrive $0xFFFF  }
0x5e: {  	_ =	shalt  }

// kernel: sparse-core-data-format-call.cloned.1.call-start
scs
called_computation_lowered:
.L_overlay_start_0:
0x0: {  	s2 =	sld [smem:$0x3FD9]  }
0x1: {  	s3 =	sld [smem:$0x3FFE];
	_ =	sdelay $0x1  }
0x2: {  	s1 =	srdreg.scid  }
0x3: {  	s0 =	sand.u32 $0x1, s1  }
0x4: {  	s18 =	sshll.u32 s0, $0xA;
	s2 =	sadd.s32 s3, s2  }
0x5: {  	s2 =	sadd.s32 s2, s18  }
0x6: {  	[smem:$0x3FA8] =	sst s2  }
0x7: {  	_ = 	snop  }
0x8: {  	s2 =	sld [smem:$0x3FD0];
	(tm) =	ssettm $0x1  }
0x9: {  	s19 =	sld [smem:$0x3FFB];
	_ =	sdelay $0x3  }
0xa: {  	_ =	strace s19  }
0xb: {  	s3 =	sld [smem:$0x3FFC];
	_ =	sdelay $0x3  }
0xc: {  	_ =	strace s3  }
0xd: {  	s3 =	sld [smem:$0x3FFD];
	_ =	sdelay $0x3  }
0xe: {  	_ =	strace s3  }
0xf: {  	_ =	strace $0x8FFFFFFF  }
0x10: {  	s20 =	sld [smem:$0x3FDB];
	_ =	sdelay $0x1  }
0x11: {  	s4 =	simm.s32 $_scs_section_size  }
0x12: {  	s5 =	simm.s32 $_size__tile_overlayer_lowered;
	s6 =	simm.s32 $_tile_overlayer_lowered  }
0x13: {  	s23 =	simm.s32 $0x1BFF;
	s22 =	sshll.u32 s6, $0x1;
	s3 =	sadd.s32 s4, s20  }
0x14: {  	s7 =	simm.s32 $0x0;
	s21 =	sshll.u32 s5, $0x1;
	s5 =	sadd.s32 s22, s3  }
0x15: {  	[timem:s7], [sflag:s23] =	dma.local [hbm:s5], s21  }
0x16: {  	_ =	swait.ge [sflag:s23], s21  }
0x17: {  	s4 =	ssub.s32 $0x0, s21;
	[sflag:s23] =	ssyncset.done $0x0  }
0x18: {  	[sflag:s23] =	ssyncadd.s32 s4;
	_ =	sdelay $0x1  }
0x19: {  	s24 =	simm.s32 $0x1B8B  }
0x1a: {  	_ =	swait.ge [sflag:s24], $0x1  }
0x1b: {  	[sflag:s24] =	ssyncset.done $0x0  }
0x1c: {  	s26 =	simm.s32 $0x1B8E;
	s25 =	sld [smem:$0x3FFE];
	[sflag:s24] =	ssyncadd.s32 $0xFFFFFFFF  }
0x1d: {  	s27 =	simm.s32 $execute0_lowered;
	[smem:$0x3FD2] =	sst s26  }
0x1e: {  	s5 =	sshll.u32 s27, $0x1;
	_ =	strace $0x80000052;
	[dreg:$0x1] =	wrdreg $0xFFFFFFFF  }
0x1f: {  	s28 =	simm.s32 $_size_execute0_lowered;
	s3 =	sadd.s32 s3, s5;
	[dreg:$0x0] =	wrdreg $0x0  }
0x20: {  	s5 =	sshll.u32 s28, $0x1;
	[dreg:$0x2] =	wrdreg s3  }
0x21: {  	[dreg:$0x3] =	wrdreg s5  }
0x22: {  	[dreg:$0x4] =	wrdreg $0xC0  }
0x23: {  	_ =	task [dreg:s7], $0x5FFFF  }
0x24: {  	[dreg:$0x1] =	wrdreg $0xFFFFFFFF  }
0x25: {  	[dreg:$0x0] =	wrdreg $0x60  }
0x26: {  	[dreg:$0x2] =	wrdreg s25  }
0x27: {  	[dreg:$0x3] =	wrdreg s2  }
0x28: {  	[dreg:$0x4] =	wrdreg $0x9  }
0x29: {  	_ =	task.clear_ibuf [dreg:s7], $0x5FFFF;
	_ =	strace $0x90000052  }
0x2a: {  	s29 =	simm.s32 $0x9;
	_ =	strace $0x80000054  }
0x2b: {  	_ =	swait.ge [sflag:s29], $0x1  }
0x2c: {  	[sflag:s29] =	ssyncadd.s32 $0xFFFFFFFF  }
0x2d: {  	_ =	strace $0x90000054  }
0x2e: {  	_ =	sfence  }
0x2f: {  	s30 =	sld [smem:$0x0];
	_ =	sdelay $0x2  }
0x30: {  	s31 =	sshll.u32 s1, $0xD;
	s1 =	sshrl.u32 s1, $0x2  }
0x31: {  	s3 =	sand.u32 $0x4000, s31;
	s1 =	sadd.s32 s1, s30  }
0x32: {  	s0 =	sor.u32 s3, s0;
	s1 =	sshll.u32 s1, $0x11  }
0x33: {  	s0 =	sor.u32 s1, s0  }
0x34: {  	s0 =	sadd.s32 $0x8F2B, s0  }
0x35: {  	[sflag:s0] =	ssyncadd.remote.s32 $0x1  }
0x36: {  	_ =	sfence.sel $0xFFFF  }
0x37: {  	[dreg:$0x0] =	wrdreg $0xFFFFFFFF;
	(pc) =	sbr.abs _section_cstart, $3  }
0x38: {  	[dreg:$0x1] =	wrdreg $0xFFFFFFFF  }
0x39: {  	_ =	task.clear_ibuf [dreg:s7], $0x2FFFF;
	_ =	strace $0x9FFFFFFF  }
0x3a: {  	(tm) =	ssettm $0x7FFFFFFF  }
0x3b: {  	_ =	shalt  }
tec
execute0_lowered:
.L_overlay_start_1:
0x0: {  	(tag) =	ssettag $0x1  }
0x1: {  	s0 =	stileid.u32;
	s4 =	rddreg [dreg:$0x0]  }
0x2: {  	s1 =	srdreg.scid;
	s3 =	rddreg [dreg:$0x1];
	s7 =	simm.s32 $0x1  }
0x3: {  	s31 =	simm.s32 $0x2;
	s2 =	sshll.u32 s0, $0x4;
	s1 =	sshll.u32 s1, $0x8  }
0x4: {  	s15 =	simm.s32 $0x0;
	s9 =	simm.s32 $0x2000;
	s1 =	sor.u32 s2, s1  }
0x5: {  	s10 =	simm.s32 $0x0;
	s16 =	simm.s32 $0x0;
	s2 =	sand.u32 $0x180, s1  }
0x6: {  	s17 =	simm.s32 $0x0;
	s11 =	simm.s32 $0x0;
	s5 =	ssub.s32 $0x800, s2  }
0x7: {  	s14 =	simm.s32 $0x0;
	s4 =	sadd.s32 $0x40000, s4;
	s6 =	sand.u32 $0x180, s5  }
.Ltmp0:
0x8: {  	s1 =	rddreg [dreg:$0x2];
	p0 =	sne.s32 s6, $0x0;
	(pc) =	sbr.rel .LBB1_1-.Ltmp0, $4  }
0x9: {  	_ =	strace $0x80000053;
	s8 =	sshrl.u32 s5, $0x9;
	s7 =	simm.s32 @!p0 $0x0  }
0xa: {  	s12 =	smov.u32 s2;
	s6 =	simm.s32 $0x1;
	s7 =	sadd.s32 s7, s8  }
0xb: {  	s5 =	sand.u32 $0x7, s0;
	[sflag:s6] =	ssyncpa.u1 $0x0;
	s7 =	sshll.u32 s7, $0x3  }
0xc: {  	s13 =	smov.u32 s5;
	[sflag:s31] =	ssyncpa.u1 $0x0;
	s8 =	sor.u32 $0x1, s7  }
.LBB1_4:
0xd: {  	_ =	sdelay $0x3  }
0xe: {  	[tilespmem:v0+s20+$0xFFFFFFA0 ss:$0x1] =	vst.idx.msk $0xffff, v6  }
0xf: {  	v56 =	vld.idx.msk [tilespmem:v1+s19+$0x30 ss:$0x1], $0xffff;
	[tilespmem:v0+s20+$0xFFFFFFB0 ss:$0x1] =	vst.idx.msk $0xffff, v4  }
0x10: {  	v57 =	vld.idx.msk [tilespmem:v1+s19+$0xFFFFFFC0 ss:$0x1], $0xffff;
	[tilespmem:v0+s20+$0xFFFFFFC0 ss:$0x1] =	vst.idx.msk $0xffff, v2  }
0x11: {  	v58 =	vld.idx.msk [tilespmem:v1+s19+$0xFFFFFFD0 ss:$0x1], $0xffff;
	[tilespmem:v0+s20+$0xFFFFFFD0 ss:$0x1] =	vst.idx.msk $0xffff, v3  }
0x12: {  	v59 =	vld.idx.msk [tilespmem:v1+s19+$0xFFFFFFE0 ss:$0x1], $0xffff;
	[tilespmem:v0+s20+$0xFFFFFFE0 ss:$0x1] =	vst.idx.msk $0xffff, v5  }
0x13: {  	v60 =	vld.idx.msk [tilespmem:v1+s19+$0xFFFFFFF0 ss:$0x1], $0xffff;
	[tilespmem:v0+s20+$0xFFFFFFF0 ss:$0x1] =	vst.idx.msk $0xffff, v7  }
0x14: {  	v61 =	vld.idx.msk [tilespmem:v1+s19+$0x0 ss:$0x1], $0xffff;
	[tilespmem:v0+s19+$0x0 ss:$0x1] =	vst.idx.msk $0xffff, v56  }
0x15: {  	v62 =	vld.idx.msk [tilespmem:v1+s19+$0x10 ss:$0x1], $0xffff;
	[tilespmem:v0+s19+$0xFFFFFF90 ss:$0x1] =	vst.idx.msk $0xffff, v57  }
0x16: {  	v63 =	vld.idx.msk [tilespmem:v1+s19+$0x20 ss:$0x1], $0xffff;
	[tilespmem:v0+s19+$0xFFFFFFA0 ss:$0x1] =	vst.idx.msk $0xffff, v58  }
0x17: {  	s17 =	sshll.u32 s17, $0x7;
	s29 =	sand.u32 $0x78, s15;
	[tilespmem:v0+s19+$0xFFFFFFB0 ss:$0x1] =	vst.idx.msk $0xffff, v59  }
0x18: {  	s16 =	sshll.u32 s16, $0xA;
	s30 =	sand.u32 $0x380, s15;
	s17 =	sand.u32 $0x380, s17;
	[tilespmem:v0+s19+$0xFFFFFFC0 ss:$0x1] =	vst.idx.msk $0xffff, v60  }
0x19: {  	s31 =	sand.u32 $0x7, s15;
	s16 =	sadd.s32 s3, s16;
	s17 =	sor.u32 s17, s29;
	[tilespmem:v0+s19+$0xFFFFFFD0 ss:$0x1] =	vst.idx.msk $0xffff, v61  }
0x1a: {  	s15 =	sshll.u32 s31, $0x12;
	s16 =	sadd.s32 s30, s16;
	s17 =	sshrl.u32 s17, $0x3;
	[tilespmem:v0+s19+$0xFFFFFFE0 ss:$0x1] =	vst.idx.msk $0xffff, v62  }
0x1b: {  	s15 =	sor.u32 $0x80, s15;
	s16 =	sadd.s32 s17, s16;
	[tilespmem:v0+s19+$0xFFFFFFF0 ss:$0x1] =	vst.idx.msk $0xffff, v63  }
0x1c: {  	[hbm4b:s16+s15] =	stream.strided.scatter [tilespmem:s18], [sflag:$0x2], $0x4000, s9, s15, $0x38;
	[tilespmem:$0x10000] =	vst v63  }
.LBB1_5:
0x1d: {  	s18 =	sadd.s32 $0x80, s11  }
0x1e: {  	s15 =	sadd.s32 $0x200, s12;
	s19 =	smov.u32 s12;
	p1 =	sgt.s32 s18, $0x3FF  }
0x1f: {  	s19 =	smov.u32 @p1 s15  }
0x20: {  	s21 =	smov.u32 s13;
	s15 =	sadd.s32 $0x8, s13;
	p2 =	sgt.s32 s19, $0x7FF  }
0x21: {  	s21 =	smov.u32 @p2 s15  }
0x22: {  	s18 =	simm.s32 @p1 $0x0;
	p1 =	sgt.s32 s21, $0x7  }
0x23: {  	p0 =	slt.u32 s14, $0x2;
	s21 =	smov.u32 @p1 s5;
	p1 =	sne.s32 s14, s8  }
.Ltmp1:
0x24: {  	s20 =	simm.s32 @!p0 $0x2;
	(pc) =	sbr.rel @!p1 .LBB1_6-.Ltmp1, $4  }
0x25: {  	s16 =	smov.u32 s12;
	s17 =	smov.u32 s13;
	_ =	swait.ge @!p0 [sflag:s20], $0x4000  }
0x26: {  	s10 =	sadd.s32 $0x4000, s10;
	[sflag:s20] =	ssyncset.done @!p0 $0x0;
	s19 =	smov.u32 @p2 s2  }
0x27: {  	s15 =	smov.u32 s11;
	[sflag:s20] =	ssyncadd.s32 @!p0 $0xFFFFC000;
	s11 =	smov.u32 s18  }
0x28: {  	s12 =	smov.u32 s19;
	s14 =	sadd.s32 $0x1, s14;
	s13 =	smov.u32 s21  }
.LBB1_1:
0x29: {  	p0 =	sge.u32 s14, s7  }
0x2a: {  	s31 =	sadd.s32 $0xFFFFFFFF, s14;
	s18 =	sshll.u32 @!p0 s12, $0x7  }
0x2b: {  	s19 =	sxor.u32 @!p0 $0xFFFFFFFF, s14;
	s20 =	sand.u32 @!p0 $0x78, s11;
	s21 =	sand.u32 @!p0 $0x380, s18  }
0x2c: {  	s19 =	sshll.u32 @!p0 s19, $0xE;
	s20 =	sor.u32 @!p0 s20, s21;
	s21 =	sshll.u32 @!p0 s13, $0x12  }
0x2d: {  	s18 =	sand.u32 @!p0 $0x3FC00, s18;
	s20 =	sshrl.u32 @!p0 s20, $0x3;
	s21 =	sadd.s32 @!p0 s4, s21  }
0x2e: {  	s18 =	sadd.s32 @!p0 s11, s18;
	s20 =	sadd.s32 @!p0 s20, s21;
	s21 =	sand.u32 @!p0 $0x7, s11  }
0x2f: {  	s19 =	sand.u32 @!p0 $0x4000, s19;
	s18 =	sand.u32 @!p0 $0x3FF80, s18;
	s21 =	sshll.u32 @!p0 s21, $0x12  }
0x30: {  	s18 =	sadd.s32 @!p0 s18, s20;
	s20 =	sor.u32 @!p0 $0x400, s21;
	s21 =	simm.s32 @!p0 $0x2000  }
0x31: {  	[tilespmem:s19], [sflag:$0x1] =	stream.strided.gather @!p0 [hbm4b:s18+s20], $0x4000, s21, s20, $0x38;
	[tilespmem:$0x10000] =	vst v63  }
0x32: {  	p0 =	sge.u32 s31, s7  }
.Ltmp2:
0x33: {  	_ = 	snop;
	(pc) =	sbr.rel @p0 .LBB1_5-.Ltmp2, $1  }
0x34: {  	_ =	sdelay $0x3  }
0x35: {  	s18 =	sand.u32 $0x4000, s10  }
0x36: {  	s19 =	sor.u32 $0x40, s18  }
0x37: {  	v1 =	vmov s19;
	_ =	sdelay $0x1  }
0x38: {  	_ =	swait.ge [sflag:s6], $0x4000  }
0x39: {  	[sflag:s6] =	ssyncset.done $0x0  }
0x3a: {  	s20 =	simm.s32 $0x0;
	[sflag:s6] =	ssyncadd.s32 $0xFFFFC000  }
0x3b: {  	s18 =	sor.u32 $0x8070, s18;
	v7 =	vld.idx.msk [tilespmem:v1+s20+$0x30 ss:$0x1], $0xffff  }
0x3c: {  	v0 =	vmov s18;
	v8 =	vld.idx.msk [tilespmem:v1+s20+$0xFFFFFFC0 ss:$0x1], $0xffff  }
0x3d: {  	v6 =	vld.idx.msk [tilespmem:v1+s20+$0xFFFFFFD0 ss:$0x1], $0xffff  }
0x3e: {  	v4 =	vld.idx.msk [tilespmem:v1+s20+$0xFFFFFFE0 ss:$0x1], $0xffff  }
0x3f: {  	v2 =	vld.idx.msk [tilespmem:v1+s20+$0xFFFFFFF0 ss:$0x1], $0xffff  }
0x40: {  	s31 =	sshll.u32 s14, $0xE;
	v3 =	vld.idx.msk [tilespmem:v1+s20+$0x0 ss:$0x1], $0xffff  }
0x41: {  	s18 =	sand.u32 $0x4000, s31;
	v5 =	vld.idx.msk [tilespmem:v1+s20+$0x10 ss:$0x1], $0xffff;
	[tilespmem:v0+s20+$0x0 ss:$0x1] =	vst.idx.msk $0xffff, v7  }
0x42: {  	s21 =	simm.s32 $0x400;
	s19 =	simm.s32 $0x80;
	s18 =	sor.u32 $0x8000, s18;
	[tilespmem:v0+s20+$0xFFFFFF90 ss:$0x1] =	vst.idx.msk $0xffff, v8;
	v7 =	vld.idx.msk [tilespmem:v1+s20+$0x20 ss:$0x1], $0xffff  }
.LBB1_3:
0x43: {  	p0 =	sne.s32 s21, $0xFE00;
	v8 =	vld.idx.msk [tilespmem:v1+s19+$0x30 ss:$0x1], $0xffff;
	[tilespmem:v0+s20+$0xFFFFFFA0 ss:$0x1] =	vst.idx.msk $0xffff, v6  }
0x44: {  	v9 =	vld.idx.msk [tilespmem:v1+s19+$0xFFFFFFC0 ss:$0x1], $0xffff;
	[tilespmem:v0+s20+$0xFFFFFFB0 ss:$0x1] =	vst.idx.msk $0xffff, v4  }
0x45: {  	v6 =	vld.idx.msk [tilespmem:v1+s19+$0xFFFFFFD0 ss:$0x1], $0xffff;
	[tilespmem:v0+s20+$0xFFFFFFC0 ss:$0x1] =	vst.idx.msk $0xffff, v2  }
.Ltmp3:
0x46: {  	v4 =	vld.idx.msk [tilespmem:v1+s19+$0xFFFFFFE0 ss:$0x1], $0xffff;
	[tilespmem:v0+s20+$0xFFFFFFD0 ss:$0x1] =	vst.idx.msk $0xffff, v3;
	(pc) =	sbr.rel @p0 .LBB1_3-.Ltmp3, $4  }
0x47: {  	v2 =	vld.idx.msk [tilespmem:v1+s19+$0xFFFFFFF0 ss:$0x1], $0xffff;
	[tilespmem:v0+s20+$0xFFFFFFE0 ss:$0x1] =	vst.idx.msk $0xffff, v5  }
0x48: {  	v3 =	vld.idx.msk [tilespmem:v1+s19+$0x0 ss:$0x1], $0xffff;
	[tilespmem:v0+s20+$0xFFFFFFF0 ss:$0x1] =	vst.idx.msk $0xffff, v7;
	s20 =	smov.u32 s19  }
0x49: {  	v5 =	vld.idx.msk [tilespmem:v1+s20+$0x10 ss:$0x1], $0xffff;
	[tilespmem:v0+s20+$0x0 ss:$0x1] =	vst.idx.msk $0xffff, v8  }
0x4a: {  	s19 =	sshra.s32 s21, $0x2;
	s21 =	sadd.s32 $0x200, s21;
	[tilespmem:v0+s20+$0xFFFFFF90 ss:$0x1] =	vst.idx.msk $0xffff, v9;
	v7 =	vld.idx.msk [tilespmem:v1+s20+$0x20 ss:$0x1], $0xffff  }
.Ltmp4:
0x4b: {  	_ = 	snop;
	(pc) =	sbr.rel .LBB1_4-.Ltmp4, $1  }
0x4c: {  	_ =	sdelay $0x3  }
.LBB1_6:
0x4d: {  	_ =	sfence.sel $0x180000  }
0x4e: {  	s2 =	simm.s32 $0x1;
	[bflag:$0x0] =	sbarrier.arrive $0xFFFF  }
0x4f: {  	s31 =	simm.s32 $0x2;
	[sflag:s2] =	ssyncpa.u1 $0x1  }
0x50: {  	[sflag:s31] =	ssyncpa.u1 $0x1  }
0x51: {  	p0 =	sne.s32 s0, $0x0;
	_ =	strace $0x90000053  }
0x52: {  	s0 =	sadd.s32 @!p0 $0x100000, s1;
	[bflag:$0x2] =	sbarrier.arrive $0xFFFF  }
0x53: {  	[sflag:s0] =	ssyncadd.tile.s32 @!p0 $0x1;
	_ =	shalt  }
.Lfunc_end1:
_tile_overlayer_lowered:
.L_overlay_start_2:
0x54: {  	(tag) =	ssettag $0x2  }
0x55: {  	s0 =	rddreg [dreg:$0x0];
	s2 =	stileid.u32  }
0x56: {  	s1 =	rddreg [dreg:$0x1];
	p0 =	sne.s32 s2, $0x0  }
0x57: {  	s3 =	rddreg [dreg:$0x2];
	[bflag:$0x3] =	sbarrier.arrive $0xFFFF;
	s2 =	simm.s32 @!p0 $0x1C01  }
0x58: {  	[timem:s3], [sflag:s2] =	dma.local @!p0 [hbm:s0], s1  }
0x59: {  	s0 =	simm.s32 @!p0 $0x1  }
0x5a: {  	_ =	swait.ge @!p0 [sflag:s0], s1  }
0x5b: {  	s1 =	ssub.s32 @!p0 $0x0, s1;
	[sflag:s0] =	ssyncset.done @!p0 $0x0  }
0x5c: {  	[sflag:s0] =	ssyncadd.s32 @!p0 s1  }
0x5d: {  	[bflag:$0x3] =	sbarrier.arrive $0xFFFF  }
0x5e: {  	_ =	shalt  }

</sc_bundles>
